<compile_context>
chip_gen: v7x
topology: tpu7x:2x2x1
jax: 0.10.2.dev20260603
libtpu: 0.0.44.dev20260713+nightly
codegen_flags: <defaults>
</compile_context>

<pallas_src>
import functools

import jax
import jax.numpy as jnp
from jax import lax
from jax.experimental import pallas as pl
from jax.experimental.pallas import tpu as pltpu
from jax.experimental.pallas import tpu_sc as plsc

N = 10000
NP = 10240
E = 320000
D = 128
NC = 2
NS = 16
SLAB = NP // NS

_MESH = plsc.VectorSubcoreMesh(core_axis_name="c", subcore_axis_name="s")

DEG_EPT = E // (NC * NS)
DEG_UNROLL = 5


@functools.partial(
    pl.kernel,
    out_type=jax.ShapeDtypeStruct((NC * NS * NP,), jnp.float32),
    mesh=_MESH,
    scratch_types=[
        pltpu.VMEM((DEG_EPT,), jnp.int32),
        pltpu.VMEM((NP,), jnp.float32),
    ],
    compiler_params=pltpu.CompilerParams(needs_layout_passes=False),
)
def _deg_call(ei_hbm, zero_hbm, out_hbm, idx_v, hist_v):
    c = lax.axis_index("c")
    s = lax.axis_index("s")
    wid = c * NS + s
    pltpu.sync_copy(zero_hbm, hist_v)
    pltpu.sync_copy(ei_hbm.at[pl.ds(E + wid * DEG_EPT, DEG_EPT)], idx_v)

    def body(i, carry):
        base = pl.multiple_of(i * (16 * DEG_UNROLL), 8)
        for j in range(DEG_UNROLL):
            d16 = idx_v[pl.ds(base + j * 16, 16)]
            cnt, last = plsc.scan_count(d16)
            plsc.addupdate_scatter(
                hist_v, [d16], cnt.astype(jnp.float32), mask=last)
        return carry

    lax.fori_loop(0, DEG_EPT // (16 * DEG_UNROLL), body, 0)
    pltpu.sync_copy(hist_v, out_hbm.at[pl.ds(wid * NP, NP)])


AGG_EPT = E // (NC * NS)
AGG_CHUNK = 40
AGG_NCH = AGG_EPT // AGG_CHUNK
NBUF = 5


@functools.partial(
    pl.kernel,
    out_type=jax.ShapeDtypeStruct((NC * NP, D), jnp.float32),
    mesh=_MESH,
    scratch_types=[
        pltpu.VMEM((AGG_EPT,), jnp.int32),
        pltpu.VMEM((AGG_EPT,), jnp.int32),
        pltpu.VMEM((NBUF, AGG_CHUNK, D), jnp.float32),
        pltpu.VMEM_SHARED((NP, D), jnp.float32),
        pltpu.SemaphoreType.DMA((NBUF,)),
        pltpu.SemaphoreType.DMA((NBUF,)),
    ],
)
def _agg_call(g_hbm, zslab_hbm, ei_hbm, out_hbm, srcv, dstv, ring,
              acc_sh, gsem, ssem):
    c = lax.axis_index("c")
    s = lax.axis_index("s")
    r0 = s * SLAB
    wid = c * NS + s

    @pl.when(c == 0)
    def _():
        pltpu.sync_copy(g_hbm.at[pl.ds(r0, SLAB)], acc_sh.at[pl.ds(r0, SLAB)])

    @pl.when(c == 1)
    def _():
        pltpu.sync_copy(zslab_hbm, acc_sh.at[pl.ds(r0, SLAB)])

    e0 = wid * AGG_EPT
    pltpu.sync_copy(ei_hbm.at[pl.ds(e0, AGG_EPT)], srcv)
    pltpu.sync_copy(ei_hbm.at[pl.ds(E + e0, AGG_EPT)], dstv)

    def start_gather(i, b):
        pltpu.async_copy(
            g_hbm.at[srcv.at[pl.ds(i * AGG_CHUNK, AGG_CHUNK)]],
            ring.at[b], gsem.at[b])

    for b in range(NBUF):
        start_gather(b, b)
    plsc.subcore_barrier()

    @pl.loop(0, AGG_NCH, step=NBUF)
    def _(ib):
        for b in range(NBUF):
            i = ib + b
            pltpu.make_async_copy(
                g_hbm.at[srcv.at[pl.ds(0, AGG_CHUNK)]],
                ring.at[b], gsem.at[b]).wait()
            pltpu.async_copy(
                ring.at[b],
                acc_sh.at[dstv.at[pl.ds(i * AGG_CHUNK, AGG_CHUNK)]],
                ssem.at[b], add=True)
            pltpu.make_async_copy(
                ring.at[b], acc_sh.at[dstv.at[pl.ds(0, AGG_CHUNK)]],
                ssem.at[b]).wait()

            @pl.when(i + NBUF < AGG_NCH)
            def _():
                start_gather(i + NBUF, b)

    plsc.subcore_barrier()
    pltpu.sync_copy(acc_sh.at[pl.ds(r0, SLAB)],
                    out_hbm.at[pl.ds(c * NP + r0, SLAB)])


def _tc0_body(x_ref, w_ref, h_ref):
    h_ref[...] = jnp.dot(x_ref[...], w_ref[...],
                         preferred_element_type=jnp.float32)


def _tc1_body(h_ref, degp_ref, g_ref, dis_ref):
    deg = jnp.sum(degp_ref[...], axis=0)[:N, None] + 1.0
    dis = lax.rsqrt(deg)
    dis_ref[...] = dis
    g_ref[0:N] = h_ref[...] * dis
    g_ref[N:NP] = jnp.zeros((NP - N, D), jnp.float32)


def _tc2_body(s_ref, dis_ref, b_ref, w_ref, res_ref, g_ref):
    dis = dis_ref[...]
    sfull = s_ref[0, 0:N] + s_ref[1, 0:N]
    h = jnp.maximum(sfull * dis + b_ref[...], 0.0)
    res_ref[...] = h
    g = jnp.dot(h, w_ref[...], preferred_element_type=jnp.float32)
    g_ref[0:N] = g * dis
    g_ref[N:NP] = jnp.zeros((NP - N, D), jnp.float32)


def _tc3_body(s_ref, dis_ref, b_ref, out_ref):
    sfull = s_ref[0, 0:N] + s_ref[1, 0:N]
    out_ref[...] = sfull * dis_ref[...] + b_ref[...]


_tc0 = pl.pallas_call(
    _tc0_body,
    out_shape=jax.ShapeDtypeStruct((N, D), jnp.float32),
)

_tc1 = pl.pallas_call(
    _tc1_body,
    out_shape=(jax.ShapeDtypeStruct((NP, D), jnp.float32),
               jax.ShapeDtypeStruct((N, 1), jnp.float32)),
)

_tc2 = pl.pallas_call(
    _tc2_body,
    out_shape=(jax.ShapeDtypeStruct((N, D), jnp.float32),
               jax.ShapeDtypeStruct((NP, D), jnp.float32)),
)

_tc3 = pl.pallas_call(
    _tc3_body,
    out_shape=jax.ShapeDtypeStruct((N, D), jnp.float32),
)


def kernel(x, edge_index, percent, ricci_curvature, W1, b1, W2, b2):
    del percent, ricci_curvature
    ei = edge_index.reshape(2 * E)
    zero_np = jnp.zeros((NP,), jnp.float32)
    zslab = jnp.zeros((SLAB, D), jnp.float32)

    degp = _deg_call(ei, zero_np).reshape(NC * NS, NP)
    h1 = _tc0(x, W1)
    g1, dis = _tc1(h1, degp)
    s1 = _agg_call(g1, zslab, ei).reshape(NC, NP, D)
    res, g2 = _tc2(s1, dis, b1.reshape(1, D), W2)
    s2 = _agg_call(g2, zslab, ei).reshape(NC, NP, D)
    out = _tc3(s2, dis, b2.reshape(1, D))
    return (out, res)

# --- scband reference (transcript-rebuilt; emitter-appended) ---
"""Pipeline reference for scband-gcn-56307021250665 (READ-ONLY COPY).

The authoritative reference and input builder live on the scoring server;
editing this copy changes nothing except your own understanding.
"""

import jax, jax.numpy as jnp
import numpy as np

N_NODES = 10000
N_EDGES = 320000
D_IN = 128
D_HID = 128
D_OUT = 128


def setup_inputs(seed: int = 0) -> dict:
    key = jax.random.key(seed)
    ks = jax.random.split(key, 8)
    x = jax.random.normal(ks[0], (N_NODES, D_IN), dtype=jnp.float32)
    edge_index = jax.random.randint(ks[1], (2, N_EDGES), 0, N_NODES, dtype=jnp.int64 if jax.config.jax_enable_x64 else jnp.int32).astype(jnp.int32)
    ricci_curvature = jax.random.normal(ks[2], (N_EDGES,), dtype=jnp.float32)
    # GCNConv parameters (glorot-style scale)
    W1 = jax.random.normal(ks[3], (D_IN, D_HID), dtype=jnp.float32) * (1.0 / np.sqrt(D_IN))
    b1 = jnp.zeros((D_HID,), dtype=jnp.float32)
    W2 = jax.random.normal(ks[4], (D_HID, D_OUT), dtype=jnp.float32) * (1.0 / np.sqrt(D_HID))
    b2 = jnp.zeros((D_OUT,), dtype=jnp.float32)
    return {"x": x, "edge_index": edge_index, "percent": 50, "ricci_curvature": ricci_curvature,
            "W1": W1, "b1": b1, "W2": W2, "b2": b2}


def _gcn_conv(x, edge_index, W, b):
    # Standard GCNConv: add self-loops, symmetric normalization, scatter-add aggregation.
    n = x.shape[0]
    loop = jnp.arange(n, dtype=edge_index.dtype)
    src = jnp.concatenate([edge_index[0], loop])
    dst = jnp.concatenate([edge_index[1], loop])
    h = x @ W
    deg = jnp.zeros((n,), dtype=h.dtype).at[dst].add(1.0)
    dis = jax.lax.rsqrt(deg)
    norm = dis[src] * dis[dst]
    msgs = h[src] * norm[:, None]
    out = jnp.zeros_like(h).at[dst].add(msgs)
    return out + b


def reference(x, edge_index, percent, ricci_curvature, W1, b1, W2, b2):
    # Eval mode: no edge sampling, no dynamic organization, no batchnorm, dropout is identity.
    h = _gcn_conv(x, edge_index, W1, b1)
    h = jax.nn.relu(h)
    res = h  # res list holds the single hidden activation (num_layers == 2)
    out = _gcn_conv(h, edge_index, W2, b2)
    return (out, res)

if __name__ == "__main__":
    import jax
    _d = setup_inputs()
    print(jax.jit(kernel)(*tuple(_d.values())))

</pallas_src>

<mosaic_0001>
#map = affine_map<(d0, d1) -> (0, 0)>
#map1 = affine_map<(d0, d1) -> (0)>
module attributes {stable_mosaic.version = 14 : i64} {
  func.func @_agg_call(%arg0: i32, %arg1: i32, %arg2: memref<10240x128xf32, #tpu.memory_space<hbm>>, %arg3: memref<640x128xf32, #tpu.memory_space<hbm>>, %arg4: memref<640000xi32, #tpu.memory_space<hbm>>, %arg5: memref<20480x128xf32, #tpu.memory_space<hbm>>, %arg6: memref<10000xi32, #tpu.memory_space<vmem>>, %arg7: memref<10000xi32, #tpu.memory_space<vmem>>, %arg8: memref<5x40x128xf32, #tpu.memory_space<vmem>>, %arg9: memref<10240x128xf32, #tpu.memory_space<vmem_shared>>, %arg10: memref<5x!tpu.dma_semaphore, #tpu.memory_space<semaphore_mem>>, %arg11: memref<5x!tpu.dma_semaphore, #tpu.memory_space<semaphore_mem>>) attributes {dimension_semantics = [#tpu.dimension_semantics<core_parallel>, #tpu.dimension_semantics<subcore_parallel>], iteration_bounds = array<i64: 2, 16>, scalar_prefetch = 0 : i64, scratch_operands = 6 : i64, tpu.core_type = #tpu.core_type<sc_vector_subcore>, window_params = [{transform_indices = #map}, {transform_indices = #map}, {transform_indices = #map1}, {transform_indices = #map}]} {
    %mul3A = arith.constant 640 : i32
    %mul3A_0 = arith.muli %arg1, %mul3A : i32
    %mul3A_1 = arith.constant 16 : i32
    %mul3A_2 = arith.muli %arg0, %mul3A_1 : i32
    %add3A = arith.addi %mul3A_2, %arg1 : i32
    %eq3A = arith.constant 0 : i32
    %eq3A_3 = arith.cmpi eq, %arg0, %eq3A : i32
    %convert_element_type3A = arith.extui %eq3A_3 : i1 to i32
    %cond3A = arith.constant 0 : i32
    %cond3A_4 = arith.cmpi ne, %convert_element_type3A, %cond3A : i32
    scf.if %cond3A_4 {
      "tpu.region"() ({
        %run_scoped3A = tpu.sem_alloc : memref<!tpu.dma_semaphore, #tpu.memory_space<semaphore_mem>>
        %dma_start3A_86 = arith.constant 0 : i32
        %dma_start3A_87 = tpu.memref_slice %arg9[%mul3A_0, %dma_start3A_86] : memref<10240x128xf32, #tpu.memory_space<vmem_shared>> -> memref<640x128xf32, #tpu.memory_space<vmem_shared>>
        %dma_start3A_88 = arith.constant 0 : i32
        %dma_start3A_89 = tpu.memref_slice %arg2[%mul3A_0, %dma_start3A_88] : memref<10240x128xf32, #tpu.memory_space<hbm>> -> memref<640x128xf32, #tpu.memory_space<hbm>>
        tpu.enqueue_dma source(%dma_start3A_89 : memref<640x128xf32, #tpu.memory_space<hbm>>) target(%dma_start3A_87 : memref<640x128xf32, #tpu.memory_space<vmem_shared>>) target_semaphore(%run_scoped3A : memref<!tpu.dma_semaphore, #tpu.memory_space<semaphore_mem>>)
        %dma_wait3A = arith.constant 0 : i32
        %dma_wait3A_90 = tpu.memref_slice %arg9[%mul3A_0, %dma_wait3A] : memref<10240x128xf32, #tpu.memory_space<vmem_shared>> -> memref<640x128xf32, #tpu.memory_space<vmem_shared>>
        %dma_wait3A_91 = arith.constant 0 : i32
        %dma_wait3A_92 = tpu.memref_slice %arg2[%mul3A_0, %dma_wait3A_91] : memref<10240x128xf32, #tpu.memory_space<hbm>> -> memref<640x128xf32, #tpu.memory_space<hbm>>
        tpu.wait_dma2 semaphore(%run_scoped3A : memref<!tpu.dma_semaphore, #tpu.memory_space<semaphore_mem>>) src(%dma_wait3A_92 : memref<640x128xf32, #tpu.memory_space<hbm>>) dst(%dma_wait3A_90 : memref<640x128xf32, #tpu.memory_space<vmem_shared>>)
        tpu.yield
      }) : () -> ()
    } else {
    }
    %eq3A_5 = arith.constant 1 : i32
    %eq3A_6 = arith.cmpi eq, %arg0, %eq3A_5 : i32
    %convert_element_type3A_7 = arith.extui %eq3A_6 : i1 to i32
    %cond3A_8 = arith.constant 0 : i32
    %cond3A_9 = arith.cmpi ne, %convert_element_type3A_7, %cond3A_8 : i32
    scf.if %cond3A_9 {
      "tpu.region"() ({
        %run_scoped3A = tpu.sem_alloc : memref<!tpu.dma_semaphore, #tpu.memory_space<semaphore_mem>>
        %dma_start3A_86 = arith.constant 0 : i32
        %dma_start3A_87 = tpu.memref_slice %arg9[%mul3A_0, %dma_start3A_86] : memref<10240x128xf32, #tpu.memory_space<vmem_shared>> -> memref<640x128xf32, #tpu.memory_space<vmem_shared>>
        tpu.enqueue_dma source(%arg3 : memref<640x128xf32, #tpu.memory_space<hbm>>) target(%dma_start3A_87 : memref<640x128xf32, #tpu.memory_space<vmem_shared>>) target_semaphore(%run_scoped3A : memref<!tpu.dma_semaphore, #tpu.memory_space<semaphore_mem>>)
        %dma_wait3A = arith.constant 0 : i32
        %dma_wait3A_88 = tpu.memref_slice %arg9[%mul3A_0, %dma_wait3A] : memref<10240x128xf32, #tpu.memory_space<vmem_shared>> -> memref<640x128xf32, #tpu.memory_space<vmem_shared>>
        tpu.wait_dma2 semaphore(%run_scoped3A : memref<!tpu.dma_semaphore, #tpu.memory_space<semaphore_mem>>) src(%arg3 : memref<640x128xf32, #tpu.memory_space<hbm>>) dst(%dma_wait3A_88 : memref<640x128xf32, #tpu.memory_space<vmem_shared>>)
        tpu.yield
      }) : () -> ()
    } else {
    }
    %mul3A_10 = arith.constant 10000 : i32
    %mul3A_11 = arith.muli %add3A, %mul3A_10 : i32
    "tpu.region"() ({
      %run_scoped3A = tpu.sem_alloc : memref<!tpu.dma_semaphore, #tpu.memory_space<semaphore_mem>>
      %dma_start3A_86 = tpu.memref_slice %arg4[%mul3A_11] : memref<640000xi32, #tpu.memory_space<hbm>> -> memref<10000xi32, #tpu.memory_space<hbm>>
      %dma_start3A_87 = tpu.memref_slice %arg4[%mul3A_11] : memref<640000xi32, #tpu.memory_space<hbm>> -> memref<10000xi32, #tpu.memory_space<hbm>>
      tpu.enqueue_dma source(%dma_start3A_87 : memref<10000xi32, #tpu.memory_space<hbm>>) target(%arg6 : memref<10000xi32, #tpu.memory_space<vmem>>) target_semaphore(%run_scoped3A : memref<!tpu.dma_semaphore, #tpu.memory_space<semaphore_mem>>)
      %dma_wait3A = tpu.memref_slice %arg4[%mul3A_11] : memref<640000xi32, #tpu.memory_space<hbm>> -> memref<10000xi32, #tpu.memory_space<hbm>>
      %dma_wait3A_88 = tpu.memref_slice %arg4[%mul3A_11] : memref<640000xi32, #tpu.memory_space<hbm>> -> memref<10000xi32, #tpu.memory_space<hbm>>
      tpu.wait_dma2 semaphore(%run_scoped3A : memref<!tpu.dma_semaphore, #tpu.memory_space<semaphore_mem>>) src(%dma_wait3A_88 : memref<10000xi32, #tpu.memory_space<hbm>>) dst(%arg6 : memref<10000xi32, #tpu.memory_space<vmem>>)
      tpu.yield
    }) : () -> ()
    %add3A_12 = arith.constant 320000 : i32
    %add3A_13 = arith.addi %add3A_12, %mul3A_11 : i32
    "tpu.region"() ({
      %run_scoped3A = tpu.sem_alloc : memref<!tpu.dma_semaphore, #tpu.memory_space<semaphore_mem>>
      %dma_start3A_86 = tpu.memref_slice %arg4[%add3A_13] : memref<640000xi32, #tpu.memory_space<hbm>> -> memref<10000xi32, #tpu.memory_space<hbm>>
      %dma_start3A_87 = tpu.memref_slice %arg4[%add3A_13] : memref<640000xi32, #tpu.memory_space<hbm>> -> memref<10000xi32, #tpu.memory_space<hbm>>
      tpu.enqueue_dma source(%dma_start3A_87 : memref<10000xi32, #tpu.memory_space<hbm>>) target(%arg7 : memref<10000xi32, #tpu.memory_space<vmem>>) target_semaphore(%run_scoped3A : memref<!tpu.dma_semaphore, #tpu.memory_space<semaphore_mem>>)
      %dma_wait3A = tpu.memref_slice %arg4[%add3A_13] : memref<640000xi32, #tpu.memory_space<hbm>> -> memref<10000xi32, #tpu.memory_space<hbm>>
      %dma_wait3A_88 = tpu.memref_slice %arg4[%add3A_13] : memref<640000xi32, #tpu.memory_space<hbm>> -> memref<10000xi32, #tpu.memory_space<hbm>>
      tpu.wait_dma2 semaphore(%run_scoped3A : memref<!tpu.dma_semaphore, #tpu.memory_space<semaphore_mem>>) src(%dma_wait3A_88 : memref<10000xi32, #tpu.memory_space<hbm>>) dst(%arg7 : memref<10000xi32, #tpu.memory_space<vmem>>)
      tpu.yield
    }) : () -> ()
    %dma_start3A = arith.constant 0 : i32
    %dma_start3A_14 = arith.constant 0 : i32
    %dma_start3A_15 = arith.constant 0 : i32
    %dma_start3A_16 = arith.constant 0 : i32
    %dma_start3A_17 = tpu.memref_slice %arg8[%dma_start3A, %dma_start3A_15, %dma_start3A_16] : memref<5x40x128xf32, #tpu.memory_space<vmem>> -> memref<1x40x128xf32, #tpu.memory_space<vmem>>
    %dma_start3A_18 = tpu.memref_squeeze %dma_start3A_17 : memref<1x40x128xf32, #tpu.memory_space<vmem>> -> memref<40x128xf32, #tpu.memory_space<vmem>>
    %dma_start3A_19 = arith.constant 0 : i32
    %dma_start3A_20 = tpu.memref_slice %arg6[%dma_start3A_19] : memref<10000xi32, #tpu.memory_space<vmem>> -> memref<40xi32, #tpu.memory_space<vmem>>
    %dma_start3A_21 = arith.constant 0 : i32
    %dma_start3A_22 = arith.constant 0 : i32
    %dma_start3A_23 = tpu.memref_slice %arg2[%dma_start3A_21, %dma_start3A_22] : memref<10240x128xf32, #tpu.memory_space<hbm>> -> memref<10240x128xf32, #tpu.memory_space<hbm>>
    %dma_start3A_24 = tpu.memref_slice %arg10[%dma_start3A_14] : memref<5x!tpu.dma_semaphore, #tpu.memory_space<semaphore_mem>> -> memref<1x!tpu.dma_semaphore, #tpu.memory_space<semaphore_mem>>
    %dma_start3A_25 = tpu.memref_squeeze %dma_start3A_24 : memref<1x!tpu.dma_semaphore, #tpu.memory_space<semaphore_mem>> -> memref<!tpu.dma_semaphore, #tpu.memory_space<semaphore_mem>>
    tpu.enqueue_indirect_dma source(%dma_start3A_23 : memref<10240x128xf32, #tpu.memory_space<hbm>>) target(%dma_start3A_18 : memref<40x128xf32, #tpu.memory_space<vmem>>) offsets(%dma_start3A_20 : memref<40xi32, #tpu.memory_space<vmem>>) semaphore(%dma_start3A_25 : memref<!tpu.dma_semaphore, #tpu.memory_space<semaphore_mem>>)
    %dma_start3A_26 = arith.constant 1 : i32
    %dma_start3A_27 = arith.constant 1 : i32
    %dma_start3A_28 = arith.constant 0 : i32
    %dma_start3A_29 = arith.constant 0 : i32
    %dma_start3A_30 = tpu.memref_slice %arg8[%dma_start3A_26, %dma_start3A_28, %dma_start3A_29] : memref<5x40x128xf32, #tpu.memory_space<vmem>> -> memref<1x40x128xf32, #tpu.memory_space<vmem>>
    %dma_start3A_31 = tpu.memref_squeeze %dma_start3A_30 : memref<1x40x128xf32, #tpu.memory_space<vmem>> -> memref<40x128xf32, #tpu.memory_space<vmem>>
    %dma_start3A_32 = arith.constant 40 : i32
    %dma_start3A_33 = tpu.memref_slice %arg6[%dma_start3A_32] : memref<10000xi32, #tpu.memory_space<vmem>> -> memref<40xi32, #tpu.memory_space<vmem>>
    %dma_start3A_34 = arith.constant 0 : i32
    %dma_start3A_35 = arith.constant 0 : i32
    %dma_start3A_36 = tpu.memref_slice %arg2[%dma_start3A_34, %dma_start3A_35] : memref<10240x128xf32, #tpu.memory_space<hbm>> -> memref<10240x128xf32, #tpu.memory_space<hbm>>
    %dma_start3A_37 = tpu.memref_slice %arg10[%dma_start3A_27] : memref<5x!tpu.dma_semaphore, #tpu.memory_space<semaphore_mem>> -> memref<1x!tpu.dma_semaphore, #tpu.memory_space<semaphore_mem>>
    %dma_start3A_38 = tpu.memref_squeeze %dma_start3A_37 : memref<1x!tpu.dma_semaphore, #tpu.memory_space<semaphore_mem>> -> memref<!tpu.dma_semaphore, #tpu.memory_space<semaphore_mem>>
    tpu.enqueue_indirect_dma source(%dma_start3A_36 : memref<10240x128xf32, #tpu.memory_space<hbm>>) target(%dma_start3A_31 : memref<40x128xf32, #tpu.memory_space<vmem>>) offsets(%dma_start3A_33 : memref<40xi32, #tpu.memory_space<vmem>>) semaphore(%dma_start3A_38 : memref<!tpu.dma_semaphore, #tpu.memory_space<semaphore_mem>>)
    %dma_start3A_39 = arith.constant 2 : i32
    %dma_start3A_40 = arith.constant 2 : i32
    %dma_start3A_41 = arith.constant 0 : i32
    %dma_start3A_42 = arith.constant 0 : i32
    %dma_start3A_43 = tpu.memref_slice %arg8[%dma_start3A_39, %dma_start3A_41, %dma_start3A_42] : memref<5x40x128xf32, #tpu.memory_space<vmem>> -> memref<1x40x128xf32, #tpu.memory_space<vmem>>
    %dma_start3A_44 = tpu.memref_squeeze %dma_start3A_43 : memref<1x40x128xf32, #tpu.memory_space<vmem>> -> memref<40x128xf32, #tpu.memory_space<vmem>>
    %dma_start3A_45 = arith.constant 80 : i32
    %dma_start3A_46 = tpu.memref_slice %arg6[%dma_start3A_45] : memref<10000xi32, #tpu.memory_space<vmem>> -> memref<40xi32, #tpu.memory_space<vmem>>
    %dma_start3A_47 = arith.constant 0 : i32
    %dma_start3A_48 = arith.constant 0 : i32
    %dma_start3A_49 = tpu.memref_slice %arg2[%dma_start3A_47, %dma_start3A_48] : memref<10240x128xf32, #tpu.memory_space<hbm>> -> memref<10240x128xf32, #tpu.memory_space<hbm>>
    %dma_start3A_50 = tpu.memref_slice %arg10[%dma_start3A_40] : memref<5x!tpu.dma_semaphore, #tpu.memory_space<semaphore_mem>> -> memref<1x!tpu.dma_semaphore, #tpu.memory_space<semaphore_mem>>
    %dma_start3A_51 = tpu.memref_squeeze %dma_start3A_50 : memref<1x!tpu.dma_semaphore, #tpu.memory_space<semaphore_mem>> -> memref<!tpu.dma_semaphore, #tpu.memory_space<semaphore_mem>>
    tpu.enqueue_indirect_dma source(%dma_start3A_49 : memref<10240x128xf32, #tpu.memory_space<hbm>>) target(%dma_start3A_44 : memref<40x128xf32, #tpu.memory_space<vmem>>) offsets(%dma_start3A_46 : memref<40xi32, #tpu.memory_space<vmem>>) semaphore(%dma_start3A_51 : memref<!tpu.dma_semaphore, #tpu.memory_space<semaphore_mem>>)
    %dma_start3A_52 = arith.constant 3 : i32
    %dma_start3A_53 = arith.constant 3 : i32
    %dma_start3A_54 = arith.constant 0 : i32
    %dma_start3A_55 = arith.constant 0 : i32
    %dma_start3A_56 = tpu.memref_slice %arg8[%dma_start3A_52, %dma_start3A_54, %dma_start3A_55] : memref<5x40x128xf32, #tpu.memory_space<vmem>> -> memref<1x40x128xf32, #tpu.memory_space<vmem>>
    %dma_start3A_57 = tpu.memref_squeeze %dma_start3A_56 : memref<1x40x128xf32, #tpu.memory_space<vmem>> -> memref<40x128xf32, #tpu.memory_space<vmem>>
    %dma_start3A_58 = arith.constant 120 : i32
    %dma_start3A_59 = tpu.memref_slice %arg6[%dma_start3A_58] : memref<10000xi32, #tpu.memory_space<vmem>> -> memref<40xi32, #tpu.memory_space<vmem>>
    %dma_start3A_60 = arith.constant 0 : i32
    %dma_start3A_61 = arith.constant 0 : i32
    %dma_start3A_62 = tpu.memref_slice %arg2[%dma_start3A_60, %dma_start3A_61] : memref<10240x128xf32, #tpu.memory_space<hbm>> -> memref<10240x128xf32, #tpu.memory_space<hbm>>
    %dma_start3A_63 = tpu.memref_slice %arg10[%dma_start3A_53] : memref<5x!tpu.dma_semaphore, #tpu.memory_space<semaphore_mem>> -> memref<1x!tpu.dma_semaphore, #tpu.memory_space<semaphore_mem>>
    %dma_start3A_64 = tpu.memref_squeeze %dma_start3A_63 : memref<1x!tpu.dma_semaphore, #tpu.memory_space<semaphore_mem>> -> memref<!tpu.dma_semaphore, #tpu.memory_space<semaphore_mem>>
    tpu.enqueue_indirect_dma source(%dma_start3A_62 : memref<10240x128xf32, #tpu.memory_space<hbm>>) target(%dma_start3A_57 : memref<40x128xf32, #tpu.memory_space<vmem>>) offsets(%dma_start3A_59 : memref<40xi32, #tpu.memory_space<vmem>>) semaphore(%dma_start3A_64 : memref<!tpu.dma_semaphore, #tpu.memory_space<semaphore_mem>>)
    %dma_start3A_65 = arith.constant 4 : i32
    %dma_start3A_66 = arith.constant 4 : i32
    %dma_start3A_67 = arith.constant 0 : i32
    %dma_start3A_68 = arith.constant 0 : i32
    %dma_start3A_69 = tpu.memref_slice %arg8[%dma_start3A_65, %dma_start3A_67, %dma_start3A_68] : memref<5x40x128xf32, #tpu.memory_space<vmem>> -> memref<1x40x128xf32, #tpu.memory_space<vmem>>
    %dma_start3A_70 = tpu.memref_squeeze %dma_start3A_69 : memref<1x40x128xf32, #tpu.memory_space<vmem>> -> memref<40x128xf32, #tpu.memory_space<vmem>>
    %dma_start3A_71 = arith.constant 160 : i32
    %dma_start3A_72 = tpu.memref_slice %arg6[%dma_start3A_71] : memref<10000xi32, #tpu.memory_space<vmem>> -> memref<40xi32, #tpu.memory_space<vmem>>
    %dma_start3A_73 = arith.constant 0 : i32
    %dma_start3A_74 = arith.constant 0 : i32
    %dma_start3A_75 = tpu.memref_slice %arg2[%dma_start3A_73, %dma_start3A_74] : memref<10240x128xf32, #tpu.memory_space<hbm>> -> memref<10240x128xf32, #tpu.memory_space<hbm>>
    %dma_start3A_76 = tpu.memref_slice %arg10[%dma_start3A_66] : memref<5x!tpu.dma_semaphore, #tpu.memory_space<semaphore_mem>> -> memref<1x!tpu.dma_semaphore, #tpu.memory_space<semaphore_mem>>
    %dma_start3A_77 = tpu.memref_squeeze %dma_start3A_76 : memref<1x!tpu.dma_semaphore, #tpu.memory_space<semaphore_mem>> -> memref<!tpu.dma_semaphore, #tpu.memory_space<semaphore_mem>>
    tpu.enqueue_indirect_dma source(%dma_start3A_75 : memref<10240x128xf32, #tpu.memory_space<hbm>>) target(%dma_start3A_70 : memref<40x128xf32, #tpu.memory_space<vmem>>) offsets(%dma_start3A_72 : memref<40xi32, #tpu.memory_space<vmem>>) semaphore(%dma_start3A_77 : memref<!tpu.dma_semaphore, #tpu.memory_space<semaphore_mem>>)
    %barrier3A = arith.constant 0 : index
    tpu.barrier barrier_id(%barrier3A)
    %scan3A = arith.constant 0 : i32
    %scan3A_78 = arith.constant 50 : i32
    %scan3A_79 = arith.addi %scan3A, %scan3A_78 : i32
    %scan3A_80 = arith.constant 1 : i32
    scf.for %scan3A_86 = %scan3A to %scan3A_79 step %scan3A_80  : i32 {
      %mul3A_87 = arith.constant 5 : i32
      %mul3A_88 = arith.muli %scan3A_86, %mul3A_87 : i32
      %add3A_89 = arith.constant 0 : i32
      %add3A_90 = arith.addi %add3A_89, %mul3A_88 : i32
      %add3A_91 = arith.constant 0 : i32
      %add3A_92 = arith.addi %add3A_90, %add3A_91 : i32
      %dma_wait3A = arith.constant 0 : i32
      %dma_wait3A_93 = arith.constant 0 : i32
      %dma_wait3A_94 = arith.constant 0 : i32
      %dma_wait3A_95 = arith.constant 0 : i32
      %dma_wait3A_96 = tpu.memref_slice %arg8[%dma_wait3A, %dma_wait3A_94, %dma_wait3A_95] : memref<5x40x128xf32, #tpu.memory_space<vmem>> -> memref<1x40x128xf32, #tpu.memory_space<vmem>>
      %dma_wait3A_97 = tpu.memref_squeeze %dma_wait3A_96 : memref<1x40x128xf32, #tpu.memory_space<vmem>> -> memref<40x128xf32, #tpu.memory_space<vmem>>
      %dma_wait3A_98 = arith.constant 0 : i32
      %dma_wait3A_99 = tpu.memref_slice %arg6[%dma_wait3A_98] : memref<10000xi32, #tpu.memory_space<vmem>> -> memref<40xi32, #tpu.memory_space<vmem>>
      %dma_wait3A_100 = arith.constant 0 : i32
      %dma_wait3A_101 = arith.constant 0 : i32
      %dma_wait3A_102 = tpu.memref_slice %arg2[%dma_wait3A_100, %dma_wait3A_101] : memref<10240x128xf32, #tpu.memory_space<hbm>> -> memref<10240x128xf32, #tpu.memory_space<hbm>>
      %dma_wait3A_103 = tpu.memref_slice %arg10[%dma_wait3A_93] : memref<5x!tpu.dma_semaphore, #tpu.memory_space<semaphore_mem>> -> memref<1x!tpu.dma_semaphore, #tpu.memory_space<semaphore_mem>>
      %dma_wait3A_104 = tpu.memref_squeeze %dma_wait3A_103 : memref<1x!tpu.dma_semaphore, #tpu.memory_space<semaphore_mem>> -> memref<!tpu.dma_semaphore, #tpu.memory_space<semaphore_mem>>
      tpu.wait_indirect_dma semaphore(%dma_wait3A_104 : memref<!tpu.dma_semaphore, #tpu.memory_space<semaphore_mem>>) src(%dma_wait3A_102 : memref<10240x128xf32, #tpu.memory_space<hbm>>) dst(%dma_wait3A_97 : memref<40x128xf32, #tpu.memory_space<vmem>>)
      %mul3A_105 = arith.constant 40 : i32
      %mul3A_106 = arith.muli %add3A_92, %mul3A_105 : i32
      %dma_start3A_107 = arith.constant 0 : i32
      %dma_start3A_108 = arith.constant 0 : i32
      %dma_start3A_109 = arith.constant 0 : i32
      %dma_start3A_110 = arith.constant 0 : i32
      %dma_start3A_111 = tpu.memref_slice %arg8[%dma_start3A_107, %dma_start3A_109, %dma_start3A_110] : memref<5x40x128xf32, #tpu.memory_space<vmem>> -> memref<1x40x128xf32, #tpu.memory_space<vmem>>
      %dma_start3A_112 = tpu.memref_squeeze %dma_start3A_111 : memref<1x40x128xf32, #tpu.memory_space<vmem>> -> memref<40x128xf32, #tpu.memory_space<vmem>>
      %dma_start3A_113 = tpu.memref_slice %arg7[%mul3A_106] : memref<10000xi32, #tpu.memory_space<vmem>> -> memref<40xi32, #tpu.memory_space<vmem>>
      %dma_start3A_114 = arith.constant 0 : i32
      %dma_start3A_115 = arith.constant 0 : i32
      %dma_start3A_116 = tpu.memref_slice %arg9[%dma_start3A_114, %dma_start3A_115] : memref<10240x128xf32, #tpu.memory_space<vmem_shared>> -> memref<10240x128xf32, #tpu.memory_space<vmem_shared>>
      %dma_start3A_117 = tpu.memref_slice %arg11[%dma_start3A_108] : memref<5x!tpu.dma_semaphore, #tpu.memory_space<semaphore_mem>> -> memref<1x!tpu.dma_semaphore, #tpu.memory_space<semaphore_mem>>
      %dma_start3A_118 = tpu.memref_squeeze %dma_start3A_117 : memref<1x!tpu.dma_semaphore, #tpu.memory_space<semaphore_mem>> -> memref<!tpu.dma_semaphore, #tpu.memory_space<semaphore_mem>>
      tpu.enqueue_indirect_dma source(%dma_start3A_112 : memref<40x128xf32, #tpu.memory_space<vmem>>) target(%dma_start3A_116 : memref<10240x128xf32, #tpu.memory_space<vmem_shared>>) offsets(%dma_start3A_113 : memref<40xi32, #tpu.memory_space<vmem>>) semaphore(%dma_start3A_118 : memref<!tpu.dma_semaphore, #tpu.memory_space<semaphore_mem>>) {add = true}
      %dma_wait3A_119 = arith.constant 0 : i32
      %dma_wait3A_120 = arith.constant 0 : i32
      %dma_wait3A_121 = arith.constant 0 : i32
      %dma_wait3A_122 = arith.constant 0 : i32
      %dma_wait3A_123 = tpu.memref_slice %arg8[%dma_wait3A_119, %dma_wait3A_121, %dma_wait3A_122] : memref<5x40x128xf32, #tpu.memory_space<vmem>> -> memref<1x40x128xf32, #tpu.memory_space<vmem>>
      %dma_wait3A_124 = tpu.memref_squeeze %dma_wait3A_123 : memref<1x40x128xf32, #tpu.memory_space<vmem>> -> memref<40x128xf32, #tpu.memory_space<vmem>>
      %dma_wait3A_125 = arith.constant 0 : i32
      %dma_wait3A_126 = tpu.memref_slice %arg7[%dma_wait3A_125] : memref<10000xi32, #tpu.memory_space<vmem>> -> memref<40xi32, #tpu.memory_space<vmem>>
      %dma_wait3A_127 = arith.constant 0 : i32
      %dma_wait3A_128 = arith.constant 0 : i32
      %dma_wait3A_129 = tpu.memref_slice %arg9[%dma_wait3A_127, %dma_wait3A_128] : memref<10240x128xf32, #tpu.memory_space<vmem_shared>> -> memref<10240x128xf32, #tpu.memory_space<vmem_shared>>
      %dma_wait3A_130 = tpu.memref_slice %arg11[%dma_wait3A_120] : memref<5x!tpu.dma_semaphore, #tpu.memory_space<semaphore_mem>> -> memref<1x!tpu.dma_semaphore, #tpu.memory_space<semaphore_mem>>
      %dma_wait3A_131 = tpu.memref_squeeze %dma_wait3A_130 : memref<1x!tpu.dma_semaphore, #tpu.memory_space<semaphore_mem>> -> memref<!tpu.dma_semaphore, #tpu.memory_space<semaphore_mem>>
      tpu.wait_indirect_dma semaphore(%dma_wait3A_131 : memref<!tpu.dma_semaphore, #tpu.memory_space<semaphore_mem>>) src(%dma_wait3A_124 : memref<40x128xf32, #tpu.memory_space<vmem>>) dst(%dma_wait3A_129 : memref<10240x128xf32, #tpu.memory_space<vmem_shared>>)
      %add3A_132 = arith.constant 5 : i32
      %add3A_133 = arith.addi %add3A_92, %add3A_132 : i32
      %lt3A = arith.constant 250 : i32
      %lt3A_134 = arith.cmpi slt, %add3A_133, %lt3A : i32
      %convert_element_type3A_135 = arith.extui %lt3A_134 : i1 to i32
      %cond3A_136 = arith.constant 0 : i32
      %cond3A_137 = arith.cmpi ne, %convert_element_type3A_135, %cond3A_136 : i32
      scf.if %cond3A_137 {
        %add3A_334 = arith.constant 5 : i32
        %add3A_335 = arith.addi %add3A_92, %add3A_334 : i32
        %mul3A_336 = arith.constant 40 : i32
        %mul3A_337 = arith.muli %add3A_335, %mul3A_336 : i32
        %dma_start3A_338 = arith.constant 0 : i32
        %dma_start3A_339 = arith.constant 0 : i32
        %dma_start3A_340 = arith.constant 0 : i32
        %dma_start3A_341 = arith.constant 0 : i32
        %dma_start3A_342 = tpu.memref_slice %arg8[%dma_start3A_338, %dma_start3A_340, %dma_start3A_341] : memref<5x40x128xf32, #tpu.memory_space<vmem>> -> memref<1x40x128xf32, #tpu.memory_space<vmem>>
        %dma_start3A_343 = tpu.memref_squeeze %dma_start3A_342 : memref<1x40x128xf32, #tpu.memory_space<vmem>> -> memref<40x128xf32, #tpu.memory_space<vmem>>
        %dma_start3A_344 = tpu.memref_slice %arg6[%mul3A_337] : memref<10000xi32, #tpu.memory_space<vmem>> -> memref<40xi32, #tpu.memory_space<vmem>>
        %dma_start3A_345 = arith.constant 0 : i32
        %dma_start3A_346 = arith.constant 0 : i32
        %dma_start3A_347 = tpu.memref_slice %arg2[%dma_start3A_345, %dma_start3A_346] : memref<10240x128xf32, #tpu.memory_space<hbm>> -> memref<10240x128xf32, #tpu.memory_space<hbm>>
        %dma_start3A_348 = tpu.memref_slice %arg10[%dma_start3A_339] : memref<5x!tpu.dma_semaphore, #tpu.memory_space<semaphore_mem>> -> memref<1x!tpu.dma_semaphore, #tpu.memory_space<semaphore_mem>>
        %dma_start3A_349 = tpu.memref_squeeze %dma_start3A_348 : memref<1x!tpu.dma_semaphore, #tpu.memory_space<semaphore_mem>> -> memref<!tpu.dma_semaphore, #tpu.memory_space<semaphore_mem>>
        tpu.enqueue_indirect_dma source(%dma_start3A_347 : memref<10240x128xf32, #tpu.memory_space<hbm>>) target(%dma_start3A_343 : memref<40x128xf32, #tpu.memory_space<vmem>>) offsets(%dma_start3A_344 : memref<40xi32, #tpu.memory_space<vmem>>) semaphore(%dma_start3A_349 : memref<!tpu.dma_semaphore, #tpu.memory_space<semaphore_mem>>)
      } else {
      }
      %add3A_138 = arith.constant 1 : i32
      %add3A_139 = arith.addi %add3A_90, %add3A_138 : i32
      %dma_wait3A_140 = arith.constant 1 : i32
      %dma_wait3A_141 = arith.constant 1 : i32
      %dma_wait3A_142 = arith.constant 0 : i32
      %dma_wait3A_143 = arith.constant 0 : i32
      %dma_wait3A_144 = tpu.memref_slice %arg8[%dma_wait3A_140, %dma_wait3A_142, %dma_wait3A_143] : memref<5x40x128xf32, #tpu.memory_space<vmem>> -> memref<1x40x128xf32, #tpu.memory_space<vmem>>
      %dma_wait3A_145 = tpu.memref_squeeze %dma_wait3A_144 : memref<1x40x128xf32, #tpu.memory_space<vmem>> -> memref<40x128xf32, #tpu.memory_space<vmem>>
      %dma_wait3A_146 = arith.constant 0 : i32
      %dma_wait3A_147 = tpu.memref_slice %arg6[%dma_wait3A_146] : memref<10000xi32, #tpu.memory_space<vmem>> -> memref<40xi32, #tpu.memory_space<vmem>>
      %dma_wait3A_148 = arith.constant 0 : i32
      %dma_wait3A_149 = arith.constant 0 : i32
      %dma_wait3A_150 = tpu.memref_slice %arg2[%dma_wait3A_148, %dma_wait3A_149] : memref<10240x128xf32, #tpu.memory_space<hbm>> -> memref<10240x128xf32, #tpu.memory_space<hbm>>
      %dma_wait3A_151 = tpu.memref_slice %arg10[%dma_wait3A_141] : memref<5x!tpu.dma_semaphore, #tpu.memory_space<semaphore_mem>> -> memref<1x!tpu.dma_semaphore, #tpu.memory_space<semaphore_mem>>
      %dma_wait3A_152 = tpu.memref_squeeze %dma_wait3A_151 : memref<1x!tpu.dma_semaphore, #tpu.memory_space<semaphore_mem>> -> memref<!tpu.dma_semaphore, #tpu.memory_space<semaphore_mem>>
      tpu.wait_indirect_dma semaphore(%dma_wait3A_152 : memref<!tpu.dma_semaphore, #tpu.memory_space<semaphore_mem>>) src(%dma_wait3A_150 : memref<10240x128xf32, #tpu.memory_space<hbm>>) dst(%dma_wait3A_145 : memref<40x128xf32, #tpu.memory_space<vmem>>)
      %mul3A_153 = arith.constant 40 : i32
      %mul3A_154 = arith.muli %add3A_139, %mul3A_153 : i32
      %dma_start3A_155 = arith.constant 1 : i32
      %dma_start3A_156 = arith.constant 1 : i32
      %dma_start3A_157 = arith.constant 0 : i32
      %dma_start3A_158 = arith.constant 0 : i32
      %dma_start3A_159 = tpu.memref_slice %arg8[%dma_start3A_155, %dma_start3A_157, %dma_start3A_158] : memref<5x40x128xf32, #tpu.memory_space<vmem>> -> memref<1x40x128xf32, #tpu.memory_space<vmem>>
      %dma_start3A_160 = tpu.memref_squeeze %dma_start3A_159 : memref<1x40x128xf32, #tpu.memory_space<vmem>> -> memref<40x128xf32, #tpu.memory_space<vmem>>
      %dma_start3A_161 = tpu.memref_slice %arg7[%mul3A_154] : memref<10000xi32, #tpu.memory_space<vmem>> -> memref<40xi32, #tpu.memory_space<vmem>>
      %dma_start3A_162 = arith.constant 0 : i32
      %dma_start3A_163 = arith.constant 0 : i32
      %dma_start3A_164 = tpu.memref_slice %arg9[%dma_start3A_162, %dma_start3A_163] : memref<10240x128xf32, #tpu.memory_space<vmem_shared>> -> memref<10240x128xf32, #tpu.memory_space<vmem_shared>>
      %dma_start3A_165 = tpu.memref_slice %arg11[%dma_start3A_156] : memref<5x!tpu.dma_semaphore, #tpu.memory_space<semaphore_mem>> -> memref<1x!tpu.dma_semaphore, #tpu.memory_space<semaphore_mem>>
      %dma_start3A_166 = tpu.memref_squeeze %dma_start3A_165 : memref<1x!tpu.dma_semaphore, #tpu.memory_space<semaphore_mem>> -> memref<!tpu.dma_semaphore, #tpu.memory_space<semaphore_mem>>
      tpu.enqueue_indirect_dma source(%dma_start3A_160 : memref<40x128xf32, #tpu.memory_space<vmem>>) target(%dma_start3A_164 : memref<10240x128xf32, #tpu.memory_space<vmem_shared>>) offsets(%dma_start3A_161 : memref<40xi32, #tpu.memory_space<vmem>>) semaphore(%dma_start3A_166 : memref<!tpu.dma_semaphore, #tpu.memory_space<semaphore_mem>>) {add = true}
      %dma_wait3A_167 = arith.constant 1 : i32
      %dma_wait3A_168 = arith.constant 1 : i32
      %dma_wait3A_169 = arith.constant 0 : i32
      %dma_wait3A_170 = arith.constant 0 : i32
      %dma_wait3A_171 = tpu.memref_slice %arg8[%dma_wait3A_167, %dma_wait3A_169, %dma_wait3A_170] : memref<5x40x128xf32, #tpu.memory_space<vmem>> -> memref<1x40x128xf32, #tpu.memory_space<vmem>>
      %dma_wait3A_172 = tpu.memref_squeeze %dma_wait3A_171 : memref<1x40x128xf32, #tpu.memory_space<vmem>> -> memref<40x128xf32, #tpu.memory_space<vmem>>
      %dma_wait3A_173 = arith.constant 0 : i32
      %dma_wait3A_174 = tpu.memref_slice %arg7[%dma_wait3A_173] : memref<10000xi32, #tpu.memory_space<vmem>> -> memref<40xi32, #tpu.memory_space<vmem>>
      %dma_wait3A_175 = arith.constant 0 : i32
      %dma_wait3A_176 = arith.constant 0 : i32
      %dma_wait3A_177 = tpu.memref_slice %arg9[%dma_wait3A_175, %dma_wait3A_176] : memref<10240x128xf32, #tpu.memory_space<vmem_shared>> -> memref<10240x128xf32, #tpu.memory_space<vmem_shared>>
      %dma_wait3A_178 = tpu.memref_slice %arg11[%dma_wait3A_168] : memref<5x!tpu.dma_semaphore, #tpu.memory_space<semaphore_mem>> -> memref<1x!tpu.dma_semaphore, #tpu.memory_space<semaphore_mem>>
      %dma_wait3A_179 = tpu.memref_squeeze %dma_wait3A_178 : memref<1x!tpu.dma_semaphore, #tpu.memory_space<semaphore_mem>> -> memref<!tpu.dma_semaphore, #tpu.memory_space<semaphore_mem>>
      tpu.wait_indirect_dma semaphore(%dma_wait3A_179 : memref<!tpu.dma_semaphore, #tpu.memory_space<semaphore_mem>>) src(%dma_wait3A_172 : memref<40x128xf32, #tpu.memory_space<vmem>>) dst(%dma_wait3A_177 : memref<10240x128xf32, #tpu.memory_space<vmem_shared>>)
      %add3A_180 = arith.constant 5 : i32
      %add3A_181 = arith.addi %add3A_139, %add3A_180 : i32
      %lt3A_182 = arith.constant 250 : i32
      %lt3A_183 = arith.cmpi slt, %add3A_181, %lt3A_182 : i32
      %convert_element_type3A_184 = arith.extui %lt3A_183 : i1 to i32
      %cond3A_185 = arith.constant 0 : i32
      %cond3A_186 = arith.cmpi ne, %convert_element_type3A_184, %cond3A_185 : i32
      scf.if %cond3A_186 {
        %add3A_334 = arith.constant 5 : i32
        %add3A_335 = arith.addi %add3A_139, %add3A_334 : i32
        %mul3A_336 = arith.constant 40 : i32
        %mul3A_337 = arith.muli %add3A_335, %mul3A_336 : i32
        %dma_start3A_338 = arith.constant 1 : i32
        %dma_start3A_339 = arith.constant 1 : i32
        %dma_start3A_340 = arith.constant 0 : i32
        %dma_start3A_341 = arith.constant 0 : i32
        %dma_start3A_342 = tpu.memref_slice %arg8[%dma_start3A_338, %dma_start3A_340, %dma_start3A_341] : memref<5x40x128xf32, #tpu.memory_space<vmem>> -> memref<1x40x128xf32, #tpu.memory_space<vmem>>
        %dma_start3A_343 = tpu.memref_squeeze %dma_start3A_342 : memref<1x40x128xf32, #tpu.memory_space<vmem>> -> memref<40x128xf32, #tpu.memory_space<vmem>>
        %dma_start3A_344 = tpu.memref_slice %arg6[%mul3A_337] : memref<10000xi32, #tpu.memory_space<vmem>> -> memref<40xi32, #tpu.memory_space<vmem>>
        %dma_start3A_345 = arith.constant 0 : i32
        %dma_start3A_346 = arith.constant 0 : i32
        %dma_start3A_347 = tpu.memref_slice %arg2[%dma_start3A_345, %dma_start3A_346] : memref<10240x128xf32, #tpu.memory_space<hbm>> -> memref<10240x128xf32, #tpu.memory_space<hbm>>
        %dma_start3A_348 = tpu.memref_slice %arg10[%dma_start3A_339] : memref<5x!tpu.dma_semaphore, #tpu.memory_space<semaphore_mem>> -> memref<1x!tpu.dma_semaphore, #tpu.memory_space<semaphore_mem>>
        %dma_start3A_349 = tpu.memref_squeeze %dma_start3A_348 : memref<1x!tpu.dma_semaphore, #tpu.memory_space<semaphore_mem>> -> memref<!tpu.dma_semaphore, #tpu.memory_space<semaphore_mem>>
        tpu.enqueue_indirect_dma source(%dma_start3A_347 : memref<10240x128xf32, #tpu.memory_space<hbm>>) target(%dma_start3A_343 : memref<40x128xf32, #tpu.memory_space<vmem>>) offsets(%dma_start3A_344 : memref<40xi32, #tpu.memory_space<vmem>>) semaphore(%dma_start3A_349 : memref<!tpu.dma_semaphore, #tpu.memory_space<semaphore_mem>>)
      } else {
      }
      %add3A_187 = arith.constant 2 : i32
      %add3A_188 = arith.addi %add3A_90, %add3A_187 : i32
      %dma_wait3A_189 = arith.constant 2 : i32
      %dma_wait3A_190 = arith.constant 2 : i32
      %dma_wait3A_191 = arith.constant 0 : i32
      %dma_wait3A_192 = arith.constant 0 : i32
      %dma_wait3A_193 = tpu.memref_slice %arg8[%dma_wait3A_189, %dma_wait3A_191, %dma_wait3A_192] : memref<5x40x128xf32, #tpu.memory_space<vmem>> -> memref<1x40x128xf32, #tpu.memory_space<vmem>>
      %dma_wait3A_194 = tpu.memref_squeeze %dma_wait3A_193 : memref<1x40x128xf32, #tpu.memory_space<vmem>> -> memref<40x128xf32, #tpu.memory_space<vmem>>
      %dma_wait3A_195 = arith.constant 0 : i32
      %dma_wait3A_196 = tpu.memref_slice %arg6[%dma_wait3A_195] : memref<10000xi32, #tpu.memory_space<vmem>> -> memref<40xi32, #tpu.memory_space<vmem>>
      %dma_wait3A_197 = arith.constant 0 : i32
      %dma_wait3A_198 = arith.constant 0 : i32
      %dma_wait3A_199 = tpu.memref_slice %arg2[%dma_wait3A_197, %dma_wait3A_198] : memref<10240x128xf32, #tpu.memory_space<hbm>> -> memref<10240x128xf32, #tpu.memory_space<hbm>>
      %dma_wait3A_200 = tpu.memref_slice %arg10[%dma_wait3A_190] : memref<5x!tpu.dma_semaphore, #tpu.memory_space<semaphore_mem>> -> memref<1x!tpu.dma_semaphore, #tpu.memory_space<semaphore_mem>>
      %dma_wait3A_201 = tpu.memref_squeeze %dma_wait3A_200 : memref<1x!tpu.dma_semaphore, #tpu.memory_space<semaphore_mem>> -> memref<!tpu.dma_semaphore, #tpu.memory_space<semaphore_mem>>
      tpu.wait_indirect_dma semaphore(%dma_wait3A_201 : memref<!tpu.dma_semaphore, #tpu.memory_space<semaphore_mem>>) src(%dma_wait3A_199 : memref<10240x128xf32, #tpu.memory_space<hbm>>) dst(%dma_wait3A_194 : memref<40x128xf32, #tpu.memory_space<vmem>>)
      %mul3A_202 = arith.constant 40 : i32
      %mul3A_203 = arith.muli %add3A_188, %mul3A_202 : i32
      %dma_start3A_204 = arith.constant 2 : i32
      %dma_start3A_205 = arith.constant 2 : i32
      %dma_start3A_206 = arith.constant 0 : i32
      %dma_start3A_207 = arith.constant 0 : i32
      %dma_start3A_208 = tpu.memref_slice %arg8[%dma_start3A_204, %dma_start3A_206, %dma_start3A_207] : memref<5x40x128xf32, #tpu.memory_space<vmem>> -> memref<1x40x128xf32, #tpu.memory_space<vmem>>
      %dma_start3A_209 = tpu.memref_squeeze %dma_start3A_208 : memref<1x40x128xf32, #tpu.memory_space<vmem>> -> memref<40x128xf32, #tpu.memory_space<vmem>>
      %dma_start3A_210 = tpu.memref_slice %arg7[%mul3A_203] : memref<10000xi32, #tpu.memory_space<vmem>> -> memref<40xi32, #tpu.memory_space<vmem>>
      %dma_start3A_211 = arith.constant 0 : i32
      %dma_start3A_212 = arith.constant 0 : i32
      %dma_start3A_213 = tpu.memref_slice %arg9[%dma_start3A_211, %dma_start3A_212] : memref<10240x128xf32, #tpu.memory_space<vmem_shared>> -> memref<10240x128xf32, #tpu.memory_space<vmem_shared>>
      %dma_start3A_214 = tpu.memref_slice %arg11[%dma_start3A_205] : memref<5x!tpu.dma_semaphore, #tpu.memory_space<semaphore_mem>> -> memref<1x!tpu.dma_semaphore, #tpu.memory_space<semaphore_mem>>
      %dma_start3A_215 = tpu.memref_squeeze %dma_start3A_214 : memref<1x!tpu.dma_semaphore, #tpu.memory_space<semaphore_mem>> -> memref<!tpu.dma_semaphore, #tpu.memory_space<semaphore_mem>>
      tpu.enqueue_indirect_dma source(%dma_start3A_209 : memref<40x128xf32, #tpu.memory_space<vmem>>) target(%dma_start3A_213 : memref<10240x128xf32, #tpu.memory_space<vmem_shared>>) offsets(%dma_start3A_210 : memref<40xi32, #tpu.memory_space<vmem>>) semaphore(%dma_start3A_215 : memref<!tpu.dma_semaphore, #tpu.memory_space<semaphore_mem>>) {add = true}
      %dma_wait3A_216 = arith.constant 2 : i32
      %dma_wait3A_217 = arith.constant 2 : i32
      %dma_wait3A_218 = arith.constant 0 : i32
      %dma_wait3A_219 = arith.constant 0 : i32
      %dma_wait3A_220 = tpu.memref_slice %arg8[%dma_wait3A_216, %dma_wait3A_218, %dma_wait3A_219] : memref<5x40x128xf32, #tpu.memory_space<vmem>> -> memref<1x40x128xf32, #tpu.memory_space<vmem>>
      %dma_wait3A_221 = tpu.memref_squeeze %dma_wait3A_220 : memref<1x40x128xf32, #tpu.memory_space<vmem>> -> memref<40x128xf32, #tpu.memory_space<vmem>>
      %dma_wait3A_222 = arith.constant 0 : i32
      %dma_wait3A_223 = tpu.memref_slice %arg7[%dma_wait3A_222] : memref<10000xi32, #tpu.memory_space<vmem>> -> memref<40xi32, #tpu.memory_space<vmem>>
      %dma_wait3A_224 = arith.constant 0 : i32
      %dma_wait3A_225 = arith.constant 0 : i32
      %dma_wait3A_226 = tpu.memref_slice %arg9[%dma_wait3A_224, %dma_wait3A_225] : memref<10240x128xf32, #tpu.memory_space<vmem_shared>> -> memref<10240x128xf32, #tpu.memory_space<vmem_shared>>
      %dma_wait3A_227 = tpu.memref_slice %arg11[%dma_wait3A_217] : memref<5x!tpu.dma_semaphore, #tpu.memory_space<semaphore_mem>> -> memref<1x!tpu.dma_semaphore, #tpu.memory_space<semaphore_mem>>
      %dma_wait3A_228 = tpu.memref_squeeze %dma_wait3A_227 : memref<1x!tpu.dma_semaphore, #tpu.memory_space<semaphore_mem>> -> memref<!tpu.dma_semaphore, #tpu.memory_space<semaphore_mem>>
      tpu.wait_indirect_dma semaphore(%dma_wait3A_228 : memref<!tpu.dma_semaphore, #tpu.memory_space<semaphore_mem>>) src(%dma_wait3A_221 : memref<40x128xf32, #tpu.memory_space<vmem>>) dst(%dma_wait3A_226 : memref<10240x128xf32, #tpu.memory_space<vmem_shared>>)
      %add3A_229 = arith.constant 5 : i32
      %add3A_230 = arith.addi %add3A_188, %add3A_229 : i32
      %lt3A_231 = arith.constant 250 : i32
      %lt3A_232 = arith.cmpi slt, %add3A_230, %lt3A_231 : i32
      %convert_element_type3A_233 = arith.extui %lt3A_232 : i1 to i32
      %cond3A_234 = arith.constant 0 : i32
      %cond3A_235 = arith.cmpi ne, %convert_element_type3A_233, %cond3A_234 : i32
      scf.if %cond3A_235 {
        %add3A_334 = arith.constant 5 : i32
        %add3A_335 = arith.addi %add3A_188, %add3A_334 : i32
        %mul3A_336 = arith.constant 40 : i32
        %mul3A_337 = arith.muli %add3A_335, %mul3A_336 : i32
        %dma_start3A_338 = arith.constant 2 : i32
        %dma_start3A_339 = arith.constant 2 : i32
        %dma_start3A_340 = arith.constant 0 : i32
        %dma_start3A_341 = arith.constant 0 : i32
        %dma_start3A_342 = tpu.memref_slice %arg8[%dma_start3A_338, %dma_start3A_340, %dma_start3A_341] : memref<5x40x128xf32, #tpu.memory_space<vmem>> -> memref<1x40x128xf32, #tpu.memory_space<vmem>>
        %dma_start3A_343 = tpu.memref_squeeze %dma_start3A_342 : memref<1x40x128xf32, #tpu.memory_space<vmem>> -> memref<40x128xf32, #tpu.memory_space<vmem>>
        %dma_start3A_344 = tpu.memref_slice %arg6[%mul3A_337] : memref<10000xi32, #tpu.memory_space<vmem>> -> memref<40xi32, #tpu.memory_space<vmem>>
        %dma_start3A_345 = arith.constant 0 : i32
        %dma_start3A_346 = arith.constant 0 : i32
        %dma_start3A_347 = tpu.memref_slice %arg2[%dma_start3A_345, %dma_start3A_346] : memref<10240x128xf32, #tpu.memory_space<hbm>> -> memref<10240x128xf32, #tpu.memory_space<hbm>>
        %dma_start3A_348 = tpu.memref_slice %arg10[%dma_start3A_339] : memref<5x!tpu.dma_semaphore, #tpu.memory_space<semaphore_mem>> -> memref<1x!tpu.dma_semaphore, #tpu.memory_space<semaphore_mem>>
        %dma_start3A_349 = tpu.memref_squeeze %dma_start3A_348 : memref<1x!tpu.dma_semaphore, #tpu.memory_space<semaphore_mem>> -> memref<!tpu.dma_semaphore, #tpu.memory_space<semaphore_mem>>
        tpu.enqueue_indirect_dma source(%dma_start3A_347 : memref<10240x128xf32, #tpu.memory_space<hbm>>) target(%dma_start3A_343 : memref<40x128xf32, #tpu.memory_space<vmem>>) offsets(%dma_start3A_344 : memref<40xi32, #tpu.memory_space<vmem>>) semaphore(%dma_start3A_349 : memref<!tpu.dma_semaphore, #tpu.memory_space<semaphore_mem>>)
      } else {
      }
      %add3A_236 = arith.constant 3 : i32
      %add3A_237 = arith.addi %add3A_90, %add3A_236 : i32
      %dma_wait3A_238 = arith.constant 3 : i32
      %dma_wait3A_239 = arith.constant 3 : i32
      %dma_wait3A_240 = arith.constant 0 : i32
      %dma_wait3A_241 = arith.constant 0 : i32
      %dma_wait3A_242 = tpu.memref_slice %arg8[%dma_wait3A_238, %dma_wait3A_240, %dma_wait3A_241] : memref<5x40x128xf32, #tpu.memory_space<vmem>> -> memref<1x40x128xf32, #tpu.memory_space<vmem>>
      %dma_wait3A_243 = tpu.memref_squeeze %dma_wait3A_242 : memref<1x40x128xf32, #tpu.memory_space<vmem>> -> memref<40x128xf32, #tpu.memory_space<vmem>>
      %dma_wait3A_244 = arith.constant 0 : i32
      %dma_wait3A_245 = tpu.memref_slice %arg6[%dma_wait3A_244] : memref<10000xi32, #tpu.memory_space<vmem>> -> memref<40xi32, #tpu.memory_space<vmem>>
      %dma_wait3A_246 = arith.constant 0 : i32
      %dma_wait3A_247 = arith.constant 0 : i32
      %dma_wait3A_248 = tpu.memref_slice %arg2[%dma_wait3A_246, %dma_wait3A_247] : memref<10240x128xf32, #tpu.memory_space<hbm>> -> memref<10240x128xf32, #tpu.memory_space<hbm>>
      %dma_wait3A_249 = tpu.memref_slice %arg10[%dma_wait3A_239] : memref<5x!tpu.dma_semaphore, #tpu.memory_space<semaphore_mem>> -> memref<1x!tpu.dma_semaphore, #tpu.memory_space<semaphore_mem>>
      %dma_wait3A_250 = tpu.memref_squeeze %dma_wait3A_249 : memref<1x!tpu.dma_semaphore, #tpu.memory_space<semaphore_mem>> -> memref<!tpu.dma_semaphore, #tpu.memory_space<semaphore_mem>>
      tpu.wait_indirect_dma semaphore(%dma_wait3A_250 : memref<!tpu.dma_semaphore, #tpu.memory_space<semaphore_mem>>) src(%dma_wait3A_248 : memref<10240x128xf32, #tpu.memory_space<hbm>>) dst(%dma_wait3A_243 : memref<40x128xf32, #tpu.memory_space<vmem>>)
      %mul3A_251 = arith.constant 40 : i32
      %mul3A_252 = arith.muli %add3A_237, %mul3A_251 : i32
      %dma_start3A_253 = arith.constant 3 : i32
      %dma_start3A_254 = arith.constant 3 : i32
      %dma_start3A_255 = arith.constant 0 : i32
      %dma_start3A_256 = arith.constant 0 : i32
      %dma_start3A_257 = tpu.memref_slice %arg8[%dma_start3A_253, %dma_start3A_255, %dma_start3A_256] : memref<5x40x128xf32, #tpu.memory_space<vmem>> -> memref<1x40x128xf32, #tpu.memory_space<vmem>>
      %dma_start3A_258 = tpu.memref_squeeze %dma_start3A_257 : memref<1x40x128xf32, #tpu.memory_space<vmem>> -> memref<40x128xf32, #tpu.memory_space<vmem>>
      %dma_start3A_259 = tpu.memref_slice %arg7[%mul3A_252] : memref<10000xi32, #tpu.memory_space<vmem>> -> memref<40xi32, #tpu.memory_space<vmem>>
      %dma_start3A_260 = arith.constant 0 : i32
      %dma_start3A_261 = arith.constant 0 : i32
      %dma_start3A_262 = tpu.memref_slice %arg9[%dma_start3A_260, %dma_start3A_261] : memref<10240x128xf32, #tpu.memory_space<vmem_shared>> -> memref<10240x128xf32, #tpu.memory_space<vmem_shared>>
      %dma_start3A_263 = tpu.memref_slice %arg11[%dma_start3A_254] : memref<5x!tpu.dma_semaphore, #tpu.memory_space<semaphore_mem>> -> memref<1x!tpu.dma_semaphore, #tpu.memory_space<semaphore_mem>>
      %dma_start3A_264 = tpu.memref_squeeze %dma_start3A_263 : memref<1x!tpu.dma_semaphore, #tpu.memory_space<semaphore_mem>> -> memref<!tpu.dma_semaphore, #tpu.memory_space<semaphore_mem>>
      tpu.enqueue_indirect_dma source(%dma_start3A_258 : memref<40x128xf32, #tpu.memory_space<vmem>>) target(%dma_start3A_262 : memref<10240x128xf32, #tpu.memory_space<vmem_shared>>) offsets(%dma_start3A_259 : memref<40xi32, #tpu.memory_space<vmem>>) semaphore(%dma_start3A_264 : memref<!tpu.dma_semaphore, #tpu.memory_space<semaphore_mem>>) {add = true}
      %dma_wait3A_265 = arith.constant 3 : i32
      %dma_wait3A_266 = arith.constant 3 : i32
      %dma_wait3A_267 = arith.constant 0 : i32
      %dma_wait3A_268 = arith.constant 0 : i32
      %dma_wait3A_269 = tpu.memref_slice %arg8[%dma_wait3A_265, %dma_wait3A_267, %dma_wait3A_268] : memref<5x40x128xf32, #tpu.memory_space<vmem>> -> memref<1x40x128xf32, #tpu.memory_space<vmem>>
      %dma_wait3A_270 = tpu.memref_squeeze %dma_wait3A_269 : memref<1x40x128xf32, #tpu.memory_space<vmem>> -> memref<40x128xf32, #tpu.memory_space<vmem>>
      %dma_wait3A_271 = arith.constant 0 : i32
      %dma_wait3A_272 = tpu.memref_slice %arg7[%dma_wait3A_271] : memref<10000xi32, #tpu.memory_space<vmem>> -> memref<40xi32, #tpu.memory_space<vmem>>
      %dma_wait3A_273 = arith.constant 0 : i32
      %dma_wait3A_274 = arith.constant 0 : i32
      %dma_wait3A_275 = tpu.memref_slice %arg9[%dma_wait3A_273, %dma_wait3A_274] : memref<10240x128xf32, #tpu.memory_space<vmem_shared>> -> memref<10240x128xf32, #tpu.memory_space<vmem_shared>>
      %dma_wait3A_276 = tpu.memref_slice %arg11[%dma_wait3A_266] : memref<5x!tpu.dma_semaphore, #tpu.memory_space<semaphore_mem>> -> memref<1x!tpu.dma_semaphore, #tpu.memory_space<semaphore_mem>>
      %dma_wait3A_277 = tpu.memref_squeeze %dma_wait3A_276 : memref<1x!tpu.dma_semaphore, #tpu.memory_space<semaphore_mem>> -> memref<!tpu.dma_semaphore, #tpu.memory_space<semaphore_mem>>
      tpu.wait_indirect_dma semaphore(%dma_wait3A_277 : memref<!tpu.dma_semaphore, #tpu.memory_space<semaphore_mem>>) src(%dma_wait3A_270 : memref<40x128xf32, #tpu.memory_space<vmem>>) dst(%dma_wait3A_275 : memref<10240x128xf32, #tpu.memory_space<vmem_shared>>)
      %add3A_278 = arith.constant 5 : i32
      %add3A_279 = arith.addi %add3A_237, %add3A_278 : i32
      %lt3A_280 = arith.constant 250 : i32
      %lt3A_281 = arith.cmpi slt, %add3A_279, %lt3A_280 : i32
      %convert_element_type3A_282 = arith.extui %lt3A_281 : i1 to i32
      %cond3A_283 = arith.constant 0 : i32
      %cond3A_284 = arith.cmpi ne, %convert_element_type3A_282, %cond3A_283 : i32
      scf.if %cond3A_284 {
        %add3A_334 = arith.constant 5 : i32
        %add3A_335 = arith.addi %add3A_237, %add3A_334 : i32
        %mul3A_336 = arith.constant 40 : i32
        %mul3A_337 = arith.muli %add3A_335, %mul3A_336 : i32
        %dma_start3A_338 = arith.constant 3 : i32
        %dma_start3A_339 = arith.constant 3 : i32
        %dma_start3A_340 = arith.constant 0 : i32
        %dma_start3A_341 = arith.constant 0 : i32
        %dma_start3A_342 = tpu.memref_slice %arg8[%dma_start3A_338, %dma_start3A_340, %dma_start3A_341] : memref<5x40x128xf32, #tpu.memory_space<vmem>> -> memref<1x40x128xf32, #tpu.memory_space<vmem>>
        %dma_start3A_343 = tpu.memref_squeeze %dma_start3A_342 : memref<1x40x128xf32, #tpu.memory_space<vmem>> -> memref<40x128xf32, #tpu.memory_space<vmem>>
        %dma_start3A_344 = tpu.memref_slice %arg6[%mul3A_337] : memref<10000xi32, #tpu.memory_space<vmem>> -> memref<40xi32, #tpu.memory_space<vmem>>
        %dma_start3A_345 = arith.constant 0 : i32
        %dma_start3A_346 = arith.constant 0 : i32
        %dma_start3A_347 = tpu.memref_slice %arg2[%dma_start3A_345, %dma_start3A_346] : memref<10240x128xf32, #tpu.memory_space<hbm>> -> memref<10240x128xf32, #tpu.memory_space<hbm>>
        %dma_start3A_348 = tpu.memref_slice %arg10[%dma_start3A_339] : memref<5x!tpu.dma_semaphore, #tpu.memory_space<semaphore_mem>> -> memref<1x!tpu.dma_semaphore, #tpu.memory_space<semaphore_mem>>
        %dma_start3A_349 = tpu.memref_squeeze %dma_start3A_348 : memref<1x!tpu.dma_semaphore, #tpu.memory_space<semaphore_mem>> -> memref<!tpu.dma_semaphore, #tpu.memory_space<semaphore_mem>>
        tpu.enqueue_indirect_dma source(%dma_start3A_347 : memref<10240x128xf32, #tpu.memory_space<hbm>>) target(%dma_start3A_343 : memref<40x128xf32, #tpu.memory_space<vmem>>) offsets(%dma_start3A_344 : memref<40xi32, #tpu.memory_space<vmem>>) semaphore(%dma_start3A_349 : memref<!tpu.dma_semaphore, #tpu.memory_space<semaphore_mem>>)
      } else {
      }
      %add3A_285 = arith.constant 4 : i32
      %add3A_286 = arith.addi %add3A_90, %add3A_285 : i32
      %dma_wait3A_287 = arith.constant 4 : i32
      %dma_wait3A_288 = arith.constant 4 : i32
      %dma_wait3A_289 = arith.constant 0 : i32
      %dma_wait3A_290 = arith.constant 0 : i32
      %dma_wait3A_291 = tpu.memref_slice %arg8[%dma_wait3A_287, %dma_wait3A_289, %dma_wait3A_290] : memref<5x40x128xf32, #tpu.memory_space<vmem>> -> memref<1x40x128xf32, #tpu.memory_space<vmem>>
      %dma_wait3A_292 = tpu.memref_squeeze %dma_wait3A_291 : memref<1x40x128xf32, #tpu.memory_space<vmem>> -> memref<40x128xf32, #tpu.memory_space<vmem>>
      %dma_wait3A_293 = arith.constant 0 : i32
      %dma_wait3A_294 = tpu.memref_slice %arg6[%dma_wait3A_293] : memref<10000xi32, #tpu.memory_space<vmem>> -> memref<40xi32, #tpu.memory_space<vmem>>
      %dma_wait3A_295 = arith.constant 0 : i32
      %dma_wait3A_296 = arith.constant 0 : i32
      %dma_wait3A_297 = tpu.memref_slice %arg2[%dma_wait3A_295, %dma_wait3A_296] : memref<10240x128xf32, #tpu.memory_space<hbm>> -> memref<10240x128xf32, #tpu.memory_space<hbm>>
      %dma_wait3A_298 = tpu.memref_slice %arg10[%dma_wait3A_288] : memref<5x!tpu.dma_semaphore, #tpu.memory_space<semaphore_mem>> -> memref<1x!tpu.dma_semaphore, #tpu.memory_space<semaphore_mem>>
      %dma_wait3A_299 = tpu.memref_squeeze %dma_wait3A_298 : memref<1x!tpu.dma_semaphore, #tpu.memory_space<semaphore_mem>> -> memref<!tpu.dma_semaphore, #tpu.memory_space<semaphore_mem>>
      tpu.wait_indirect_dma semaphore(%dma_wait3A_299 : memref<!tpu.dma_semaphore, #tpu.memory_space<semaphore_mem>>) src(%dma_wait3A_297 : memref<10240x128xf32, #tpu.memory_space<hbm>>) dst(%dma_wait3A_292 : memref<40x128xf32, #tpu.memory_space<vmem>>)
      %mul3A_300 = arith.constant 40 : i32
      %mul3A_301 = arith.muli %add3A_286, %mul3A_300 : i32
      %dma_start3A_302 = arith.constant 4 : i32
      %dma_start3A_303 = arith.constant 4 : i32
      %dma_start3A_304 = arith.constant 0 : i32
      %dma_start3A_305 = arith.constant 0 : i32
      %dma_start3A_306 = tpu.memref_slice %arg8[%dma_start3A_302, %dma_start3A_304, %dma_start3A_305] : memref<5x40x128xf32, #tpu.memory_space<vmem>> -> memref<1x40x128xf32, #tpu.memory_space<vmem>>
      %dma_start3A_307 = tpu.memref_squeeze %dma_start3A_306 : memref<1x40x128xf32, #tpu.memory_space<vmem>> -> memref<40x128xf32, #tpu.memory_space<vmem>>
      %dma_start3A_308 = tpu.memref_slice %arg7[%mul3A_301] : memref<10000xi32, #tpu.memory_space<vmem>> -> memref<40xi32, #tpu.memory_space<vmem>>
      %dma_start3A_309 = arith.constant 0 : i32
      %dma_start3A_310 = arith.constant 0 : i32
      %dma_start3A_311 = tpu.memref_slice %arg9[%dma_start3A_309, %dma_start3A_310] : memref<10240x128xf32, #tpu.memory_space<vmem_shared>> -> memref<10240x128xf32, #tpu.memory_space<vmem_shared>>
      %dma_start3A_312 = tpu.memref_slice %arg11[%dma_start3A_303] : memref<5x!tpu.dma_semaphore, #tpu.memory_space<semaphore_mem>> -> memref<1x!tpu.dma_semaphore, #tpu.memory_space<semaphore_mem>>
      %dma_start3A_313 = tpu.memref_squeeze %dma_start3A_312 : memref<1x!tpu.dma_semaphore, #tpu.memory_space<semaphore_mem>> -> memref<!tpu.dma_semaphore, #tpu.memory_space<semaphore_mem>>
      tpu.enqueue_indirect_dma source(%dma_start3A_307 : memref<40x128xf32, #tpu.memory_space<vmem>>) target(%dma_start3A_311 : memref<10240x128xf32, #tpu.memory_space<vmem_shared>>) offsets(%dma_start3A_308 : memref<40xi32, #tpu.memory_space<vmem>>) semaphore(%dma_start3A_313 : memref<!tpu.dma_semaphore, #tpu.memory_space<semaphore_mem>>) {add = true}
      %dma_wait3A_314 = arith.constant 4 : i32
      %dma_wait3A_315 = arith.constant 4 : i32
      %dma_wait3A_316 = arith.constant 0 : i32
      %dma_wait3A_317 = arith.constant 0 : i32
      %dma_wait3A_318 = tpu.memref_slice %arg8[%dma_wait3A_314, %dma_wait3A_316, %dma_wait3A_317] : memref<5x40x128xf32, #tpu.memory_space<vmem>> -> memref<1x40x128xf32, #tpu.memory_space<vmem>>
      %dma_wait3A_319 = tpu.memref_squeeze %dma_wait3A_318 : memref<1x40x128xf32, #tpu.memory_space<vmem>> -> memref<40x128xf32, #tpu.memory_space<vmem>>
      %dma_wait3A_320 = arith.constant 0 : i32
      %dma_wait3A_321 = tpu.memref_slice %arg7[%dma_wait3A_320] : memref<10000xi32, #tpu.memory_space<vmem>> -> memref<40xi32, #tpu.memory_space<vmem>>
      %dma_wait3A_322 = arith.constant 0 : i32
      %dma_wait3A_323 = arith.constant 0 : i32
      %dma_wait3A_324 = tpu.memref_slice %arg9[%dma_wait3A_322, %dma_wait3A_323] : memref<10240x128xf32, #tpu.memory_space<vmem_shared>> -> memref<10240x128xf32, #tpu.memory_space<vmem_shared>>
      %dma_wait3A_325 = tpu.memref_slice %arg11[%dma_wait3A_315] : memref<5x!tpu.dma_semaphore, #tpu.memory_space<semaphore_mem>> -> memref<1x!tpu.dma_semaphore, #tpu.memory_space<semaphore_mem>>
      %dma_wait3A_326 = tpu.memref_squeeze %dma_wait3A_325 : memref<1x!tpu.dma_semaphore, #tpu.memory_space<semaphore_mem>> -> memref<!tpu.dma_semaphore, #tpu.memory_space<semaphore_mem>>
      tpu.wait_indirect_dma semaphore(%dma_wait3A_326 : memref<!tpu.dma_semaphore, #tpu.memory_space<semaphore_mem>>) src(%dma_wait3A_319 : memref<40x128xf32, #tpu.memory_space<vmem>>) dst(%dma_wait3A_324 : memref<10240x128xf32, #tpu.memory_space<vmem_shared>>)
      %add3A_327 = arith.constant 5 : i32
      %add3A_328 = arith.addi %add3A_286, %add3A_327 : i32
      %lt3A_329 = arith.constant 250 : i32
      %lt3A_330 = arith.cmpi slt, %add3A_328, %lt3A_329 : i32
      %convert_element_type3A_331 = arith.extui %lt3A_330 : i1 to i32
      %cond3A_332 = arith.constant 0 : i32
      %cond3A_333 = arith.cmpi ne, %convert_element_type3A_331, %cond3A_332 : i32
      scf.if %cond3A_333 {
        %add3A_334 = arith.constant 5 : i32
        %add3A_335 = arith.addi %add3A_286, %add3A_334 : i32
        %mul3A_336 = arith.constant 40 : i32
        %mul3A_337 = arith.muli %add3A_335, %mul3A_336 : i32
        %dma_start3A_338 = arith.constant 4 : i32
        %dma_start3A_339 = arith.constant 4 : i32
        %dma_start3A_340 = arith.constant 0 : i32
        %dma_start3A_341 = arith.constant 0 : i32
        %dma_start3A_342 = tpu.memref_slice %arg8[%dma_start3A_338, %dma_start3A_340, %dma_start3A_341] : memref<5x40x128xf32, #tpu.memory_space<vmem>> -> memref<1x40x128xf32, #tpu.memory_space<vmem>>
        %dma_start3A_343 = tpu.memref_squeeze %dma_start3A_342 : memref<1x40x128xf32, #tpu.memory_space<vmem>> -> memref<40x128xf32, #tpu.memory_space<vmem>>
        %dma_start3A_344 = tpu.memref_slice %arg6[%mul3A_337] : memref<10000xi32, #tpu.memory_space<vmem>> -> memref<40xi32, #tpu.memory_space<vmem>>
        %dma_start3A_345 = arith.constant 0 : i32
        %dma_start3A_346 = arith.constant 0 : i32
        %dma_start3A_347 = tpu.memref_slice %arg2[%dma_start3A_345, %dma_start3A_346] : memref<10240x128xf32, #tpu.memory_space<hbm>> -> memref<10240x128xf32, #tpu.memory_space<hbm>>
        %dma_start3A_348 = tpu.memref_slice %arg10[%dma_start3A_339] : memref<5x!tpu.dma_semaphore, #tpu.memory_space<semaphore_mem>> -> memref<1x!tpu.dma_semaphore, #tpu.memory_space<semaphore_mem>>
        %dma_start3A_349 = tpu.memref_squeeze %dma_start3A_348 : memref<1x!tpu.dma_semaphore, #tpu.memory_space<semaphore_mem>> -> memref<!tpu.dma_semaphore, #tpu.memory_space<semaphore_mem>>
        tpu.enqueue_indirect_dma source(%dma_start3A_347 : memref<10240x128xf32, #tpu.memory_space<hbm>>) target(%dma_start3A_343 : memref<40x128xf32, #tpu.memory_space<vmem>>) offsets(%dma_start3A_344 : memref<40xi32, #tpu.memory_space<vmem>>) semaphore(%dma_start3A_349 : memref<!tpu.dma_semaphore, #tpu.memory_space<semaphore_mem>>)
      } else {
      }
    }
    %scan3A_81 = arith.constant 50 : i32
    %barrier3A_82 = arith.constant 0 : index
    tpu.barrier barrier_id(%barrier3A_82)
    %mul3A_83 = arith.constant 10240 : i32
    %mul3A_84 = arith.muli %arg0, %mul3A_83 : i32
    %add3A_85 = arith.addi %mul3A_84, %mul3A_0 : i32
    "tpu.region"() ({
      %run_scoped3A = tpu.sem_alloc : memref<!tpu.dma_semaphore, #tpu.memory_space<semaphore_mem>>
      %dma_start3A_86 = arith.constant 0 : i32
      %dma_start3A_87 = tpu.memref_slice %arg5[%add3A_85, %dma_start3A_86] : memref<20480x128xf32, #tpu.memory_space<hbm>> -> memref<640x128xf32, #tpu.memory_space<hbm>>
      %dma_start3A_88 = arith.constant 0 : i32
      %dma_start3A_89 = tpu.memref_slice %arg9[%mul3A_0, %dma_start3A_88] : memref<10240x128xf32, #tpu.memory_space<vmem_shared>> -> memref<640x128xf32, #tpu.memory_space<vmem_shared>>
      tpu.enqueue_dma source(%dma_start3A_89 : memref<640x128xf32, #tpu.memory_space<vmem_shared>>) target(%dma_start3A_87 : memref<640x128xf32, #tpu.memory_space<hbm>>) target_semaphore(%run_scoped3A : memref<!tpu.dma_semaphore, #tpu.memory_space<semaphore_mem>>)
      %dma_wait3A = arith.constant 0 : i32
      %dma_wait3A_90 = tpu.memref_slice %arg5[%add3A_85, %dma_wait3A] : memref<20480x128xf32, #tpu.memory_space<hbm>> -> memref<640x128xf32, #tpu.memory_space<hbm>>
      %dma_wait3A_91 = arith.constant 0 : i32
      %dma_wait3A_92 = tpu.memref_slice %arg9[%mul3A_0, %dma_wait3A_91] : memref<10240x128xf32, #tpu.memory_space<vmem_shared>> -> memref<640x128xf32, #tpu.memory_space<vmem_shared>>
      tpu.wait_dma2 semaphore(%run_scoped3A : memref<!tpu.dma_semaphore, #tpu.memory_space<semaphore_mem>>) src(%dma_wait3A_92 : memref<640x128xf32, #tpu.memory_space<vmem_shared>>) dst(%dma_wait3A_90 : memref<640x128xf32, #tpu.memory_space<hbm>>)
      tpu.yield
    }) : () -> ()
    return
  }
}

#map = affine_map<(d0, d1) -> (0, 0)>
#map1 = affine_map<(d0, d1) -> (0)>
module attributes {stable_mosaic.version = 14 : i64} {
  func.func @_agg_call(%arg0: i32, %arg1: i32, %arg2: memref<10240x128xf32, #tpu.memory_space<hbm>>, %arg3: memref<640x128xf32, #tpu.memory_space<hbm>>, %arg4: memref<640000xi32, #tpu.memory_space<hbm>>, %arg5: memref<20480x128xf32, #tpu.memory_space<hbm>>, %arg6: memref<10000xi32, #tpu.memory_space<vmem>>, %arg7: memref<10000xi32, #tpu.memory_space<vmem>>, %arg8: memref<5x40x128xf32, #tpu.memory_space<vmem>>, %arg9: memref<10240x128xf32, #tpu.memory_space<vmem_shared>>, %arg10: memref<5x!tpu.dma_semaphore, #tpu.memory_space<semaphore_mem>>, %arg11: memref<5x!tpu.dma_semaphore, #tpu.memory_space<semaphore_mem>>) attributes {dimension_semantics = [#tpu.dimension_semantics<core_parallel>, #tpu.dimension_semantics<subcore_parallel>], iteration_bounds = array<i64: 2, 16>, scalar_prefetch = 0 : i64, scratch_operands = 6 : i64, tpu.core_type = #tpu.core_type<sc_vector_subcore>, window_params = [{transform_indices = #map}, {transform_indices = #map}, {transform_indices = #map1}, {transform_indices = #map}]} {
    %mul3A = arith.constant 640 : i32
    %mul3A_0 = arith.muli %arg1, %mul3A : i32
    %mul3A_1 = arith.constant 16 : i32
    %mul3A_2 = arith.muli %arg0, %mul3A_1 : i32
    %add3A = arith.addi %mul3A_2, %arg1 : i32
    %eq3A = arith.constant 0 : i32
    %eq3A_3 = arith.cmpi eq, %arg0, %eq3A : i32
    %convert_element_type3A = arith.extui %eq3A_3 : i1 to i32
    %cond3A = arith.constant 0 : i32
    %cond3A_4 = arith.cmpi ne, %convert_element_type3A, %cond3A : i32
    scf.if %cond3A_4 {
      "tpu.region"() ({
        %run_scoped3A = tpu.sem_alloc : memref<!tpu.dma_semaphore, #tpu.memory_space<semaphore_mem>>
        %dma_start3A_86 = arith.constant 0 : i32
        %dma_start3A_87 = tpu.memref_slice %arg9[%mul3A_0, %dma_start3A_86] : memref<10240x128xf32, #tpu.memory_space<vmem_shared>> -> memref<640x128xf32, #tpu.memory_space<vmem_shared>>
        %dma_start3A_88 = arith.constant 0 : i32
        %dma_start3A_89 = tpu.memref_slice %arg2[%mul3A_0, %dma_start3A_88] : memref<10240x128xf32, #tpu.memory_space<hbm>> -> memref<640x128xf32, #tpu.memory_space<hbm>>
        tpu.enqueue_dma source(%dma_start3A_89 : memref<640x128xf32, #tpu.memory_space<hbm>>) target(%dma_start3A_87 : memref<640x128xf32, #tpu.memory_space<vmem_shared>>) target_semaphore(%run_scoped3A : memref<!tpu.dma_semaphore, #tpu.memory_space<semaphore_mem>>)
        %dma_wait3A = arith.constant 0 : i32
        %dma_wait3A_90 = tpu.memref_slice %arg9[%mul3A_0, %dma_wait3A] : memref<10240x128xf32, #tpu.memory_space<vmem_shared>> -> memref<640x128xf32, #tpu.memory_space<vmem_shared>>
        %dma_wait3A_91 = arith.constant 0 : i32
        %dma_wait3A_92 = tpu.memref_slice %arg2[%mul3A_0, %dma_wait3A_91] : memref<10240x128xf32, #tpu.memory_space<hbm>> -> memref<640x128xf32, #tpu.memory_space<hbm>>
        tpu.wait_dma2 semaphore(%run_scoped3A : memref<!tpu.dma_semaphore, #tpu.memory_space<semaphore_mem>>) src(%dma_wait3A_92 : memref<640x128xf32, #tpu.memory_space<hbm>>) dst(%dma_wait3A_90 : memref<640x128xf32, #tpu.memory_space<vmem_shared>>)
        tpu.yield
      }) : () -> ()
    } else {
    }
    %eq3A_5 = arith.constant 1 : i32
    %eq3A_6 = arith.cmpi eq, %arg0, %eq3A_5 : i32
    %convert_element_type3A_7 = arith.extui %eq3A_6 : i1 to i32
    %cond3A_8 = arith.constant 0 : i32
    %cond3A_9 = arith.cmpi ne, %convert_element_type3A_7, %cond3A_8 : i32
    scf.if %cond3A_9 {
      "tpu.region"() ({
        %run_scoped3A = tpu.sem_alloc : memref<!tpu.dma_semaphore, #tpu.memory_space<semaphore_mem>>
        %dma_start3A_86 = arith.constant 0 : i32
        %dma_start3A_87 = tpu.memref_slice %arg9[%mul3A_0, %dma_start3A_86] : memref<10240x128xf32, #tpu.memory_space<vmem_shared>> -> memref<640x128xf32, #tpu.memory_space<vmem_shared>>
        tpu.enqueue_dma source(%arg3 : memref<640x128xf32, #tpu.memory_space<hbm>>) target(%dma_start3A_87 : memref<640x128xf32, #tpu.memory_space<vmem_shared>>) target_semaphore(%run_scoped3A : memref<!tpu.dma_semaphore, #tpu.memory_space<semaphore_mem>>)
        %dma_wait3A = arith.constant 0 : i32
        %dma_wait3A_88 = tpu.memref_slice %arg9[%mul3A_0, %dma_wait3A] : memref<10240x128xf32, #tpu.memory_space<vmem_shared>> -> memref<640x128xf32, #tpu.memory_space<vmem_shared>>
        tpu.wait_dma2 semaphore(%run_scoped3A : memref<!tpu.dma_semaphore, #tpu.memory_space<semaphore_mem>>) src(%arg3 : memref<640x128xf32, #tpu.memory_space<hbm>>) dst(%dma_wait3A_88 : memref<640x128xf32, #tpu.memory_space<vmem_shared>>)
        tpu.yield
      }) : () -> ()
    } else {
    }
    %mul3A_10 = arith.constant 10000 : i32
    %mul3A_11 = arith.muli %add3A, %mul3A_10 : i32
    "tpu.region"() ({
      %run_scoped3A = tpu.sem_alloc : memref<!tpu.dma_semaphore, #tpu.memory_space<semaphore_mem>>
      %dma_start3A_86 = tpu.memref_slice %arg4[%mul3A_11] : memref<640000xi32, #tpu.memory_space<hbm>> -> memref<10000xi32, #tpu.memory_space<hbm>>
      %dma_start3A_87 = tpu.memref_slice %arg4[%mul3A_11] : memref<640000xi32, #tpu.memory_space<hbm>> -> memref<10000xi32, #tpu.memory_space<hbm>>
      tpu.enqueue_dma source(%dma_start3A_87 : memref<10000xi32, #tpu.memory_space<hbm>>) target(%arg6 : memref<10000xi32, #tpu.memory_space<vmem>>) target_semaphore(%run_scoped3A : memref<!tpu.dma_semaphore, #tpu.memory_space<semaphore_mem>>)
      %dma_wait3A = tpu.memref_slice %arg4[%mul3A_11] : memref<640000xi32, #tpu.memory_space<hbm>> -> memref<10000xi32, #tpu.memory_space<hbm>>
      %dma_wait3A_88 = tpu.memref_slice %arg4[%mul3A_11] : memref<640000xi32, #tpu.memory_space<hbm>> -> memref<10000xi32, #tpu.memory_space<hbm>>
      tpu.wait_dma2 semaphore(%run_scoped3A : memref<!tpu.dma_semaphore, #tpu.memory_space<semaphore_mem>>) src(%dma_wait3A_88 : memref<10000xi32, #tpu.memory_space<hbm>>) dst(%arg6 : memref<10000xi32, #tpu.memory_space<vmem>>)
      tpu.yield
    }) : () -> ()
    %add3A_12 = arith.constant 320000 : i32
    %add3A_13 = arith.addi %add3A_12, %mul3A_11 : i32
    "tpu.region"() ({
      %run_scoped3A = tpu.sem_alloc : memref<!tpu.dma_semaphore, #tpu.memory_space<semaphore_mem>>
      %dma_start3A_86 = tpu.memref_slice %arg4[%add3A_13] : memref<640000xi32, #tpu.memory_space<hbm>> -> memref<10000xi32, #tpu.memory_space<hbm>>
      %dma_start3A_87 = tpu.memref_slice %arg4[%add3A_13] : memref<640000xi32, #tpu.memory_space<hbm>> -> memref<10000xi32, #tpu.memory_space<hbm>>
      tpu.enqueue_dma source(%dma_start3A_87 : memref<10000xi32, #tpu.memory_space<hbm>>) target(%arg7 : memref<10000xi32, #tpu.memory_space<vmem>>) target_semaphore(%run_scoped3A : memref<!tpu.dma_semaphore, #tpu.memory_space<semaphore_mem>>)
      %dma_wait3A = tpu.memref_slice %arg4[%add3A_13] : memref<640000xi32, #tpu.memory_space<hbm>> -> memref<10000xi32, #tpu.memory_space<hbm>>
      %dma_wait3A_88 = tpu.memref_slice %arg4[%add3A_13] : memref<640000xi32, #tpu.memory_space<hbm>> -> memref<10000xi32, #tpu.memory_space<hbm>>
      tpu.wait_dma2 semaphore(%run_scoped3A : memref<!tpu.dma_semaphore, #tpu.memory_space<semaphore_mem>>) src(%dma_wait3A_88 : memref<10000xi32, #tpu.memory_space<hbm>>) dst(%arg7 : memref<10000xi32, #tpu.memory_space<vmem>>)
      tpu.yield
    }) : () -> ()
    %dma_start3A = arith.constant 0 : i32
    %dma_start3A_14 = arith.constant 0 : i32
    %dma_start3A_15 = arith.constant 0 : i32
    %dma_start3A_16 = arith.constant 0 : i32
    %dma_start3A_17 = tpu.memref_slice %arg8[%dma_start3A, %dma_start3A_15, %dma_start3A_16] : memref<5x40x128xf32, #tpu.memory_space<vmem>> -> memref<1x40x128xf32, #tpu.memory_space<vmem>>
    %dma_start3A_18 = tpu.memref_squeeze %dma_start3A_17 : memref<1x40x128xf32, #tpu.memory_space<vmem>> -> memref<40x128xf32, #tpu.memory_space<vmem>>
    %dma_start3A_19 = arith.constant 0 : i32
    %dma_start3A_20 = tpu.memref_slice %arg6[%dma_start3A_19] : memref<10000xi32, #tpu.memory_space<vmem>> -> memref<40xi32, #tpu.memory_space<vmem>>
    %dma_start3A_21 = arith.constant 0 : i32
    %dma_start3A_22 = arith.constant 0 : i32
    %dma_start3A_23 = tpu.memref_slice %arg2[%dma_start3A_21, %dma_start3A_22] : memref<10240x128xf32, #tpu.memory_space<hbm>> -> memref<10240x128xf32, #tpu.memory_space<hbm>>
    %dma_start3A_24 = tpu.memref_slice %arg10[%dma_start3A_14] : memref<5x!tpu.dma_semaphore, #tpu.memory_space<semaphore_mem>> -> memref<1x!tpu.dma_semaphore, #tpu.memory_space<semaphore_mem>>
    %dma_start3A_25 = tpu.memref_squeeze %dma_start3A_24 : memref<1x!tpu.dma_semaphore, #tpu.memory_space<semaphore_mem>> -> memref<!tpu.dma_semaphore, #tpu.memory_space<semaphore_mem>>
    tpu.enqueue_indirect_dma source(%dma_start3A_23 : memref<10240x128xf32, #tpu.memory_space<hbm>>) target(%dma_start3A_18 : memref<40x128xf32, #tpu.memory_space<vmem>>) offsets(%dma_start3A_20 : memref<40xi32, #tpu.memory_space<vmem>>) semaphore(%dma_start3A_25 : memref<!tpu.dma_semaphore, #tpu.memory_space<semaphore_mem>>)
    %dma_start3A_26 = arith.constant 1 : i32
    %dma_start3A_27 = arith.constant 1 : i32
    %dma_start3A_28 = arith.constant 0 : i32
    %dma_start3A_29 = arith.constant 0 : i32
    %dma_start3A_30 = tpu.memref_slice %arg8[%dma_start3A_26, %dma_start3A_28, %dma_start3A_29] : memref<5x40x128xf32, #tpu.memory_space<vmem>> -> memref<1x40x128xf32, #tpu.memory_space<vmem>>
    %dma_start3A_31 = tpu.memref_squeeze %dma_start3A_30 : memref<1x40x128xf32, #tpu.memory_space<vmem>> -> memref<40x128xf32, #tpu.memory_space<vmem>>
    %dma_start3A_32 = arith.constant 40 : i32
    %dma_start3A_33 = tpu.memref_slice %arg6[%dma_start3A_32] : memref<10000xi32, #tpu.memory_space<vmem>> -> memref<40xi32, #tpu.memory_space<vmem>>
    %dma_start3A_34 = arith.constant 0 : i32
    %dma_start3A_35 = arith.constant 0 : i32
    %dma_start3A_36 = tpu.memref_slice %arg2[%dma_start3A_34, %dma_start3A_35] : memref<10240x128xf32, #tpu.memory_space<hbm>> -> memref<10240x128xf32, #tpu.memory_space<hbm>>
    %dma_start3A_37 = tpu.memref_slice %arg10[%dma_start3A_27] : memref<5x!tpu.dma_semaphore, #tpu.memory_space<semaphore_mem>> -> memref<1x!tpu.dma_semaphore, #tpu.memory_space<semaphore_mem>>
    %dma_start3A_38 = tpu.memref_squeeze %dma_start3A_37 : memref<1x!tpu.dma_semaphore, #tpu.memory_space<semaphore_mem>> -> memref<!tpu.dma_semaphore, #tpu.memory_space<semaphore_mem>>
    tpu.enqueue_indirect_dma source(%dma_start3A_36 : memref<10240x128xf32, #tpu.memory_space<hbm>>) target(%dma_start3A_31 : memref<40x128xf32, #tpu.memory_space<vmem>>) offsets(%dma_start3A_33 : memref<40xi32, #tpu.memory_space<vmem>>) semaphore(%dma_start3A_38 : memref<!tpu.dma_semaphore, #tpu.memory_space<semaphore_mem>>)
    %dma_start3A_39 = arith.constant 2 : i32
    %dma_start3A_40 = arith.constant 2 : i32
    %dma_start3A_41 = arith.constant 0 : i32
    %dma_start3A_42 = arith.constant 0 : i32
    %dma_start3A_43 = tpu.memref_slice %arg8[%dma_start3A_39, %dma_start3A_41, %dma_start3A_42] : memref<5x40x128xf32, #tpu.memory_space<vmem>> -> memref<1x40x128xf32, #tpu.memory_space<vmem>>
    %dma_start3A_44 = tpu.memref_squeeze %dma_start3A_43 : memref<1x40x128xf32, #tpu.memory_space<vmem>> -> memref<40x128xf32, #tpu.memory_space<vmem>>
    %dma_start3A_45 = arith.constant 80 : i32
    %dma_start3A_46 = tpu.memref_slice %arg6[%dma_start3A_45] : memref<10000xi32, #tpu.memory_space<vmem>> -> memref<40xi32, #tpu.memory_space<vmem>>
    %dma_start3A_47 = arith.constant 0 : i32
    %dma_start3A_48 = arith.constant 0 : i32
    %dma_start3A_49 = tpu.memref_slice %arg2[%dma_start3A_47, %dma_start3A_48] : memref<10240x128xf32, #tpu.memory_space<hbm>> -> memref<10240x128xf32, #tpu.memory_space<hbm>>
    %dma_start3A_50 = tpu.memref_slice %arg10[%dma_start3A_40] : memref<5x!tpu.dma_semaphore, #tpu.memory_space<semaphore_mem>> -> memref<1x!tpu.dma_semaphore, #tpu.memory_space<semaphore_mem>>
    %dma_start3A_51 = tpu.memref_squeeze %dma_start3A_50 : memref<1x!tpu.dma_semaphore, #tpu.memory_space<semaphore_mem>> -> memref<!tpu.dma_semaphore, #tpu.memory_space<semaphore_mem>>
    tpu.enqueue_indirect_dma source(%dma_start3A_49 : memref<10240x128xf32, #tpu.memory_space<hbm>>) target(%dma_start3A_44 : memref<40x128xf32, #tpu.memory_space<vmem>>) offsets(%dma_start3A_46 : memref<40xi32, #tpu.memory_space<vmem>>) semaphore(%dma_start3A_51 : memref<!tpu.dma_semaphore, #tpu.memory_space<semaphore_mem>>)
    %dma_start3A_52 = arith.constant 3 : i32
    %dma_start3A_53 = arith.constant 3 : i32
    %dma_start3A_54 = arith.constant 0 : i32
    %dma_start3A_55 = arith.constant 0 : i32
    %dma_start3A_56 = tpu.memref_slice %arg8[%dma_start3A_52, %dma_start3A_54, %dma_start3A_55] : memref<5x40x128xf32, #tpu.memory_space<vmem>> -> memref<1x40x128xf32, #tpu.memory_space<vmem>>
    %dma_start3A_57 = tpu.memref_squeeze %dma_start3A_56 : memref<1x40x128xf32, #tpu.memory_space<vmem>> -> memref<40x128xf32, #tpu.memory_space<vmem>>
    %dma_start3A_58 = arith.constant 120 : i32
    %dma_start3A_59 = tpu.memref_slice %arg6[%dma_start3A_58] : memref<10000xi32, #tpu.memory_space<vmem>> -> memref<40xi32, #tpu.memory_space<vmem>>
    %dma_start3A_60 = arith.constant 0 : i32
    %dma_start3A_61 = arith.constant 0 : i32
    %dma_start3A_62 = tpu.memref_slice %arg2[%dma_start3A_60, %dma_start3A_61] : memref<10240x128xf32, #tpu.memory_space<hbm>> -> memref<10240x128xf32, #tpu.memory_space<hbm>>
    %dma_start3A_63 = tpu.memref_slice %arg10[%dma_start3A_53] : memref<5x!tpu.dma_semaphore, #tpu.memory_space<semaphore_mem>> -> memref<1x!tpu.dma_semaphore, #tpu.memory_space<semaphore_mem>>
    %dma_start3A_64 = tpu.memref_squeeze %dma_start3A_63 : memref<1x!tpu.dma_semaphore, #tpu.memory_space<semaphore_mem>> -> memref<!tpu.dma_semaphore, #tpu.memory_space<semaphore_mem>>
    tpu.enqueue_indirect_dma source(%dma_start3A_62 : memref<10240x128xf32, #tpu.memory_space<hbm>>) target(%dma_start3A_57 : memref<40x128xf32, #tpu.memory_space<vmem>>) offsets(%dma_start3A_59 : memref<40xi32, #tpu.memory_space<vmem>>) semaphore(%dma_start3A_64 : memref<!tpu.dma_semaphore, #tpu.memory_space<semaphore_mem>>)
    %dma_start3A_65 = arith.constant 4 : i32
    %dma_start3A_66 = arith.constant 4 : i32
    %dma_start3A_67 = arith.constant 0 : i32
    %dma_start3A_68 = arith.constant 0 : i32
    %dma_start3A_69 = tpu.memref_slice %arg8[%dma_start3A_65, %dma_start3A_67, %dma_start3A_68] : memref<5x40x128xf32, #tpu.memory_space<vmem>> -> memref<1x40x128xf32, #tpu.memory_space<vmem>>
    %dma_start3A_70 = tpu.memref_squeeze %dma_start3A_69 : memref<1x40x128xf32, #tpu.memory_space<vmem>> -> memref<40x128xf32, #tpu.memory_space<vmem>>
    %dma_start3A_71 = arith.constant 160 : i32
    %dma_start3A_72 = tpu.memref_slice %arg6[%dma_start3A_71] : memref<10000xi32, #tpu.memory_space<vmem>> -> memref<40xi32, #tpu.memory_space<vmem>>
    %dma_start3A_73 = arith.constant 0 : i32
    %dma_start3A_74 = arith.constant 0 : i32
    %dma_start3A_75 = tpu.memref_slice %arg2[%dma_start3A_73, %dma_start3A_74] : memref<10240x128xf32, #tpu.memory_space<hbm>> -> memref<10240x128xf32, #tpu.memory_space<hbm>>
    %dma_start3A_76 = tpu.memref_slice %arg10[%dma_start3A_66] : memref<5x!tpu.dma_semaphore, #tpu.memory_space<semaphore_mem>> -> memref<1x!tpu.dma_semaphore, #tpu.memory_space<semaphore_mem>>
    %dma_start3A_77 = tpu.memref_squeeze %dma_start3A_76 : memref<1x!tpu.dma_semaphore, #tpu.memory_space<semaphore_mem>> -> memref<!tpu.dma_semaphore, #tpu.memory_space<semaphore_mem>>
    tpu.enqueue_indirect_dma source(%dma_start3A_75 : memref<10240x128xf32, #tpu.memory_space<hbm>>) target(%dma_start3A_70 : memref<40x128xf32, #tpu.memory_space<vmem>>) offsets(%dma_start3A_72 : memref<40xi32, #tpu.memory_space<vmem>>) semaphore(%dma_start3A_77 : memref<!tpu.dma_semaphore, #tpu.memory_space<semaphore_mem>>)
    %barrier3A = arith.constant 0 : index
    tpu.barrier barrier_id(%barrier3A)
    %scan3A = arith.constant 0 : i32
    %scan3A_78 = arith.constant 50 : i32
    %scan3A_79 = arith.addi %scan3A, %scan3A_78 : i32
    %scan3A_80 = arith.constant 1 : i32
    scf.for %scan3A_86 = %scan3A to %scan3A_79 step %scan3A_80  : i32 {
      %mul3A_87 = arith.constant 5 : i32
      %mul3A_88 = arith.muli %scan3A_86, %mul3A_87 : i32
      %add3A_89 = arith.constant 0 : i32
      %add3A_90 = arith.addi %add3A_89, %mul3A_88 : i32
      %add3A_91 = arith.constant 0 : i32
      %add3A_92 = arith.addi %add3A_90, %add3A_91 : i32
      %dma_wait3A = arith.constant 0 : i32
      %dma_wait3A_93 = arith.constant 0 : i32
      %dma_wait3A_94 = arith.constant 0 : i32
      %dma_wait3A_95 = arith.constant 0 : i32
      %dma_wait3A_96 = tpu.memref_slice %arg8[%dma_wait3A, %dma_wait3A_94, %dma_wait3A_95] : memref<5x40x128xf32, #tpu.memory_space<vmem>> -> memref<1x40x128xf32, #tpu.memory_space<vmem>>
      %dma_wait3A_97 = tpu.memref_squeeze %dma_wait3A_96 : memref<1x40x128xf32, #tpu.memory_space<vmem>> -> memref<40x128xf32, #tpu.memory_space<vmem>>
      %dma_wait3A_98 = arith.constant 0 : i32
      %dma_wait3A_99 = tpu.memref_slice %arg6[%dma_wait3A_98] : memref<10000xi32, #tpu.memory_space<vmem>> -> memref<40xi32, #tpu.memory_space<vmem>>
      %dma_wait3A_100 = arith.constant 0 : i32
      %dma_wait3A_101 = arith.constant 0 : i32
      %dma_wait3A_102 = tpu.memref_slice %arg2[%dma_wait3A_100, %dma_wait3A_101] : memref<10240x128xf32, #tpu.memory_space<hbm>> -> memref<10240x128xf32, #tpu.memory_space<hbm>>
      %dma_wait3A_103 = tpu.memref_slice %arg10[%dma_wait3A_93] : memref<5x!tpu.dma_semaphore, #tpu.memory_space<semaphore_mem>> -> memref<1x!tpu.dma_semaphore, #tpu.memory_space<semaphore_mem>>
      %dma_wait3A_104 = tpu.memref_squeeze %dma_wait3A_103 : memref<1x!tpu.dma_semaphore, #tpu.memory_space<semaphore_mem>> -> memref<!tpu.dma_semaphore, #tpu.memory_space<semaphore_mem>>
      tpu.wait_indirect_dma semaphore(%dma_wait3A_104 : memref<!tpu.dma_semaphore, #tpu.memory_space<semaphore_mem>>) src(%dma_wait3A_102 : memref<10240x128xf32, #tpu.memory_space<hbm>>) dst(%dma_wait3A_97 : memref<40x128xf32, #tpu.memory_space<vmem>>)
      %mul3A_105 = arith.constant 40 : i32
      %mul3A_106 = arith.muli %add3A_92, %mul3A_105 : i32
      %dma_start3A_107 = arith.constant 0 : i32
      %dma_start3A_108 = arith.constant 0 : i32
      %dma_start3A_109 = arith.constant 0 : i32
      %dma_start3A_110 = arith.constant 0 : i32
      %dma_start3A_111 = tpu.memref_slice %arg8[%dma_start3A_107, %dma_start3A_109, %dma_start3A_110] : memref<5x40x128xf32, #tpu.memory_space<vmem>> -> memref<1x40x128xf32, #tpu.memory_space<vmem>>
      %dma_start3A_112 = tpu.memref_squeeze %dma_start3A_111 : memref<1x40x128xf32, #tpu.memory_space<vmem>> -> memref<40x128xf32, #tpu.memory_space<vmem>>
      %dma_start3A_113 = tpu.memref_slice %arg7[%mul3A_106] : memref<10000xi32, #tpu.memory_space<vmem>> -> memref<40xi32, #tpu.memory_space<vmem>>
      %dma_start3A_114 = arith.constant 0 : i32
      %dma_start3A_115 = arith.constant 0 : i32
      %dma_start3A_116 = tpu.memref_slice %arg9[%dma_start3A_114, %dma_start3A_115] : memref<10240x128xf32, #tpu.memory_space<vmem_shared>> -> memref<10240x128xf32, #tpu.memory_space<vmem_shared>>
      %dma_start3A_117 = tpu.memref_slice %arg11[%dma_start3A_108] : memref<5x!tpu.dma_semaphore, #tpu.memory_space<semaphore_mem>> -> memref<1x!tpu.dma_semaphore, #tpu.memory_space<semaphore_mem>>
      %dma_start3A_118 = tpu.memref_squeeze %dma_start3A_117 : memref<1x!tpu.dma_semaphore, #tpu.memory_space<semaphore_mem>> -> memref<!tpu.dma_semaphore, #tpu.memory_space<semaphore_mem>>
      tpu.enqueue_indirect_dma source(%dma_start3A_112 : memref<40x128xf32, #tpu.memory_space<vmem>>) target(%dma_start3A_116 : memref<10240x128xf32, #tpu.memory_space<vmem_shared>>) offsets(%dma_start3A_113 : memref<40xi32, #tpu.memory_space<vmem>>) semaphore(%dma_start3A_118 : memref<!tpu.dma_semaphore, #tpu.memory_space<semaphore_mem>>) {add = true}
      %dma_wait3A_119 = arith.constant 0 : i32
      %dma_wait3A_120 = arith.constant 0 : i32
      %dma_wait3A_121 = arith.constant 0 : i32
      %dma_wait3A_122 = arith.constant 0 : i32
      %dma_wait3A_123 = tpu.memref_slice %arg8[%dma_wait3A_119, %dma_wait3A_121, %dma_wait3A_122] : memref<5x40x128xf32, #tpu.memory_space<vmem>> -> memref<1x40x128xf32, #tpu.memory_space<vmem>>
      %dma_wait3A_124 = tpu.memref_squeeze %dma_wait3A_123 : memref<1x40x128xf32, #tpu.memory_space<vmem>> -> memref<40x128xf32, #tpu.memory_space<vmem>>
      %dma_wait3A_125 = arith.constant 0 : i32
      %dma_wait3A_126 = tpu.memref_slice %arg7[%dma_wait3A_125] : memref<10000xi32, #tpu.memory_space<vmem>> -> memref<40xi32, #tpu.memory_space<vmem>>
      %dma_wait3A_127 = arith.constant 0 : i32
      %dma_wait3A_128 = arith.constant 0 : i32
      %dma_wait3A_129 = tpu.memref_slice %arg9[%dma_wait3A_127, %dma_wait3A_128] : memref<10240x128xf32, #tpu.memory_space<vmem_shared>> -> memref<10240x128xf32, #tpu.memory_space<vmem_shared>>
      %dma_wait3A_130 = tpu.memref_slice %arg11[%dma_wait3A_120] : memref<5x!tpu.dma_semaphore, #tpu.memory_space<semaphore_mem>> -> memref<1x!tpu.dma_semaphore, #tpu.memory_space<semaphore_mem>>
      %dma_wait3A_131 = tpu.memref_squeeze %dma_wait3A_130 : memref<1x!tpu.dma_semaphore, #tpu.memory_space<semaphore_mem>> -> memref<!tpu.dma_semaphore, #tpu.memory_space<semaphore_mem>>
      tpu.wait_indirect_dma semaphore(%dma_wait3A_131 : memref<!tpu.dma_semaphore, #tpu.memory_space<semaphore_mem>>) src(%dma_wait3A_124 : memref<40x128xf32, #tpu.memory_space<vmem>>) dst(%dma_wait3A_129 : memref<10240x128xf32, #tpu.memory_space<vmem_shared>>)
      %add3A_132 = arith.constant 5 : i32
      %add3A_133 = arith.addi %add3A_92, %add3A_132 : i32
      %lt3A = arith.constant 250 : i32
      %lt3A_134 = arith.cmpi slt, %add3A_133, %lt3A : i32
      %convert_element_type3A_135 = arith.extui %lt3A_134 : i1 to i32
      %cond3A_136 = arith.constant 0 : i32
      %cond3A_137 = arith.cmpi ne, %convert_element_type3A_135, %cond3A_136 : i32
      scf.if %cond3A_137 {
        %add3A_334 = arith.constant 5 : i32
        %add3A_335 = arith.addi %add3A_92, %add3A_334 : i32
        %mul3A_336 = arith.constant 40 : i32
        %mul3A_337 = arith.muli %add3A_335, %mul3A_336 : i32
        %dma_start3A_338 = arith.constant 0 : i32
        %dma_start3A_339 = arith.constant 0 : i32
        %dma_start3A_340 = arith.constant 0 : i32
        %dma_start3A_341 = arith.constant 0 : i32
        %dma_start3A_342 = tpu.memref_slice %arg8[%dma_start3A_338, %dma_start3A_340, %dma_start3A_341] : memref<5x40x128xf32, #tpu.memory_space<vmem>> -> memref<1x40x128xf32, #tpu.memory_space<vmem>>
        %dma_start3A_343 = tpu.memref_squeeze %dma_start3A_342 : memref<1x40x128xf32, #tpu.memory_space<vmem>> -> memref<40x128xf32, #tpu.memory_space<vmem>>
        %dma_start3A_344 = tpu.memref_slice %arg6[%mul3A_337] : memref<10000xi32, #tpu.memory_space<vmem>> -> memref<40xi32, #tpu.memory_space<vmem>>
        %dma_start3A_345 = arith.constant 0 : i32
        %dma_start3A_346 = arith.constant 0 : i32
        %dma_start3A_347 = tpu.memref_slice %arg2[%dma_start3A_345, %dma_start3A_346] : memref<10240x128xf32, #tpu.memory_space<hbm>> -> memref<10240x128xf32, #tpu.memory_space<hbm>>
        %dma_start3A_348 = tpu.memref_slice %arg10[%dma_start3A_339] : memref<5x!tpu.dma_semaphore, #tpu.memory_space<semaphore_mem>> -> memref<1x!tpu.dma_semaphore, #tpu.memory_space<semaphore_mem>>
        %dma_start3A_349 = tpu.memref_squeeze %dma_start3A_348 : memref<1x!tpu.dma_semaphore, #tpu.memory_space<semaphore_mem>> -> memref<!tpu.dma_semaphore, #tpu.memory_space<semaphore_mem>>
        tpu.enqueue_indirect_dma source(%dma_start3A_347 : memref<10240x128xf32, #tpu.memory_space<hbm>>) target(%dma_start3A_343 : memref<40x128xf32, #tpu.memory_space<vmem>>) offsets(%dma_start3A_344 : memref<40xi32, #tpu.memory_space<vmem>>) semaphore(%dma_start3A_349 : memref<!tpu.dma_semaphore, #tpu.memory_space<semaphore_mem>>)
      } else {
      }
      %add3A_138 = arith.constant 1 : i32
      %add3A_139 = arith.addi %add3A_90, %add3A_138 : i32
      %dma_wait3A_140 = arith.constant 1 : i32
      %dma_wait3A_141 = arith.constant 1 : i32
      %dma_wait3A_142 = arith.constant 0 : i32
      %dma_wait3A_143 = arith.constant 0 : i32
      %dma_wait3A_144 = tpu.memref_slice %arg8[%dma_wait3A_140, %dma_wait3A_142, %dma_wait3A_143] : memref<5x40x128xf32, #tpu.memory_space<vmem>> -> memref<1x40x128xf32, #tpu.memory_space<vmem>>
      %dma_wait3A_145 = tpu.memref_squeeze %dma_wait3A_144 : memref<1x40x128xf32, #tpu.memory_space<vmem>> -> memref<40x128xf32, #tpu.memory_space<vmem>>
      %dma_wait3A_146 = arith.constant 0 : i32
      %dma_wait3A_147 = tpu.memref_slice %arg6[%dma_wait3A_146] : memref<10000xi32, #tpu.memory_space<vmem>> -> memref<40xi32, #tpu.memory_space<vmem>>
      %dma_wait3A_148 = arith.constant 0 : i32
      %dma_wait3A_149 = arith.constant 0 : i32
      %dma_wait3A_150 = tpu.memref_slice %arg2[%dma_wait3A_148, %dma_wait3A_149] : memref<10240x128xf32, #tpu.memory_space<hbm>> -> memref<10240x128xf32, #tpu.memory_space<hbm>>
      %dma_wait3A_151 = tpu.memref_slice %arg10[%dma_wait3A_141] : memref<5x!tpu.dma_semaphore, #tpu.memory_space<semaphore_mem>> -> memref<1x!tpu.dma_semaphore, #tpu.memory_space<semaphore_mem>>
      %dma_wait3A_152 = tpu.memref_squeeze %dma_wait3A_151 : memref<1x!tpu.dma_semaphore, #tpu.memory_space<semaphore_mem>> -> memref<!tpu.dma_semaphore, #tpu.memory_space<semaphore_mem>>
      tpu.wait_indirect_dma semaphore(%dma_wait3A_152 : memref<!tpu.dma_semaphore, #tpu.memory_space<semaphore_mem>>) src(%dma_wait3A_150 : memref<10240x128xf32, #tpu.memory_space<hbm>>) dst(%dma_wait3A_145 : memref<40x128xf32, #tpu.memory_space<vmem>>)
      %mul3A_153 = arith.constant 40 : i32
      %mul3A_154 = arith.muli %add3A_139, %mul3A_153 : i32
      %dma_start3A_155 = arith.constant 1 : i32
      %dma_start3A_156 = arith.constant 1 : i32
      %dma_start3A_157 = arith.constant 0 : i32
      %dma_start3A_158 = arith.constant 0 : i32
      %dma_start3A_159 = tpu.memref_slice %arg8[%dma_start3A_155, %dma_start3A_157, %dma_start3A_158] : memref<5x40x128xf32, #tpu.memory_space<vmem>> -> memref<1x40x128xf32, #tpu.memory_space<vmem>>
      %dma_start3A_160 = tpu.memref_squeeze %dma_start3A_159 : memref<1x40x128xf32, #tpu.memory_space<vmem>> -> memref<40x128xf32, #tpu.memory_space<vmem>>
      %dma_start3A_161 = tpu.memref_slice %arg7[%mul3A_154] : memref<10000xi32, #tpu.memory_space<vmem>> -> memref<40xi32, #tpu.memory_space<vmem>>
      %dma_start3A_162 = arith.constant 0 : i32
      %dma_start3A_163 = arith.constant 0 : i32
      %dma_start3A_164 = tpu.memref_slice %arg9[%dma_start3A_162, %dma_start3A_163] : memref<10240x128xf32, #tpu.memory_space<vmem_shared>> -> memref<10240x128xf32, #tpu.memory_space<vmem_shared>>
      %dma_start3A_165 = tpu.memref_slice %arg11[%dma_start3A_156] : memref<5x!tpu.dma_semaphore, #tpu.memory_space<semaphore_mem>> -> memref<1x!tpu.dma_semaphore, #tpu.memory_space<semaphore_mem>>
      %dma_start3A_166 = tpu.memref_squeeze %dma_start3A_165 : memref<1x!tpu.dma_semaphore, #tpu.memory_space<semaphore_mem>> -> memref<!tpu.dma_semaphore, #tpu.memory_space<semaphore_mem>>
      tpu.enqueue_indirect_dma source(%dma_start3A_160 : memref<40x128xf32, #tpu.memory_space<vmem>>) target(%dma_start3A_164 : memref<10240x128xf32, #tpu.memory_space<vmem_shared>>) offsets(%dma_start3A_161 : memref<40xi32, #tpu.memory_space<vmem>>) semaphore(%dma_start3A_166 : memref<!tpu.dma_semaphore, #tpu.memory_space<semaphore_mem>>) {add = true}
      %dma_wait3A_167 = arith.constant 1 : i32
      %dma_wait3A_168 = arith.constant 1 : i32
      %dma_wait3A_169 = arith.constant 0 : i32
      %dma_wait3A_170 = arith.constant 0 : i32
      %dma_wait3A_171 = tpu.memref_slice %arg8[%dma_wait3A_167, %dma_wait3A_169, %dma_wait3A_170] : memref<5x40x128xf32, #tpu.memory_space<vmem>> -> memref<1x40x128xf32, #tpu.memory_space<vmem>>
      %dma_wait3A_172 = tpu.memref_squeeze %dma_wait3A_171 : memref<1x40x128xf32, #tpu.memory_space<vmem>> -> memref<40x128xf32, #tpu.memory_space<vmem>>
      %dma_wait3A_173 = arith.constant 0 : i32
      %dma_wait3A_174 = tpu.memref_slice %arg7[%dma_wait3A_173] : memref<10000xi32, #tpu.memory_space<vmem>> -> memref<40xi32, #tpu.memory_space<vmem>>
      %dma_wait3A_175 = arith.constant 0 : i32
      %dma_wait3A_176 = arith.constant 0 : i32
      %dma_wait3A_177 = tpu.memref_slice %arg9[%dma_wait3A_175, %dma_wait3A_176] : memref<10240x128xf32, #tpu.memory_space<vmem_shared>> -> memref<10240x128xf32, #tpu.memory_space<vmem_shared>>
      %dma_wait3A_178 = tpu.memref_slice %arg11[%dma_wait3A_168] : memref<5x!tpu.dma_semaphore, #tpu.memory_space<semaphore_mem>> -> memref<1x!tpu.dma_semaphore, #tpu.memory_space<semaphore_mem>>
      %dma_wait3A_179 = tpu.memref_squeeze %dma_wait3A_178 : memref<1x!tpu.dma_semaphore, #tpu.memory_space<semaphore_mem>> -> memref<!tpu.dma_semaphore, #tpu.memory_space<semaphore_mem>>
      tpu.wait_indirect_dma semaphore(%dma_wait3A_179 : memref<!tpu.dma_semaphore, #tpu.memory_space<semaphore_mem>>) src(%dma_wait3A_172 : memref<40x128xf32, #tpu.memory_space<vmem>>) dst(%dma_wait3A_177 : memref<10240x128xf32, #tpu.memory_space<vmem_shared>>)
      %add3A_180 = arith.constant 5 : i32
      %add3A_181 = arith.addi %add3A_139, %add3A_180 : i32
      %lt3A_182 = arith.constant 250 : i32
      %lt3A_183 = arith.cmpi slt, %add3A_181, %lt3A_182 : i32
      %convert_element_type3A_184 = arith.extui %lt3A_183 : i1 to i32
      %cond3A_185 = arith.constant 0 : i32
      %cond3A_186 = arith.cmpi ne, %convert_element_type3A_184, %cond3A_185 : i32
      scf.if %cond3A_186 {
        %add3A_334 = arith.constant 5 : i32
        %add3A_335 = arith.addi %add3A_139, %add3A_334 : i32
        %mul3A_336 = arith.constant 40 : i32
        %mul3A_337 = arith.muli %add3A_335, %mul3A_336 : i32
        %dma_start3A_338 = arith.constant 1 : i32
        %dma_start3A_339 = arith.constant 1 : i32
        %dma_start3A_340 = arith.constant 0 : i32
        %dma_start3A_341 = arith.constant 0 : i32
        %dma_start3A_342 = tpu.memref_slice %arg8[%dma_start3A_338, %dma_start3A_340, %dma_start3A_341] : memref<5x40x128xf32, #tpu.memory_space<vmem>> -> memref<1x40x128xf32, #tpu.memory_space<vmem>>
        %dma_start3A_343 = tpu.memref_squeeze %dma_start3A_342 : memref<1x40x128xf32, #tpu.memory_space<vmem>> -> memref<40x128xf32, #tpu.memory_space<vmem>>
        %dma_start3A_344 = tpu.memref_slice %arg6[%mul3A_337] : memref<10000xi32, #tpu.memory_space<vmem>> -> memref<40xi32, #tpu.memory_space<vmem>>
        %dma_start3A_345 = arith.constant 0 : i32
        %dma_start3A_346 = arith.constant 0 : i32
        %dma_start3A_347 = tpu.memref_slice %arg2[%dma_start3A_345, %dma_start3A_346] : memref<10240x128xf32, #tpu.memory_space<hbm>> -> memref<10240x128xf32, #tpu.memory_space<hbm>>
        %dma_start3A_348 = tpu.memref_slice %arg10[%dma_start3A_339] : memref<5x!tpu.dma_semaphore, #tpu.memory_space<semaphore_mem>> -> memref<1x!tpu.dma_semaphore, #tpu.memory_space<semaphore_mem>>
        %dma_start3A_349 = tpu.memref_squeeze %dma_start3A_348 : memref<1x!tpu.dma_semaphore, #tpu.memory_space<semaphore_mem>> -> memref<!tpu.dma_semaphore, #tpu.memory_space<semaphore_mem>>
        tpu.enqueue_indirect_dma source(%dma_start3A_347 : memref<10240x128xf32, #tpu.memory_space<hbm>>) target(%dma_start3A_343 : memref<40x128xf32, #tpu.memory_space<vmem>>) offsets(%dma_start3A_344 : memref<40xi32, #tpu.memory_space<vmem>>) semaphore(%dma_start3A_349 : memref<!tpu.dma_semaphore, #tpu.memory_space<semaphore_mem>>)
      } else {
      }
      %add3A_187 = arith.constant 2 : i32
      %add3A_188 = arith.addi %add3A_90, %add3A_187 : i32
      %dma_wait3A_189 = arith.constant 2 : i32
      %dma_wait3A_190 = arith.constant 2 : i32
      %dma_wait3A_191 = arith.constant 0 : i32
      %dma_wait3A_192 = arith.constant 0 : i32
      %dma_wait3A_193 = tpu.memref_slice %arg8[%dma_wait3A_189, %dma_wait3A_191, %dma_wait3A_192] : memref<5x40x128xf32, #tpu.memory_space<vmem>> -> memref<1x40x128xf32, #tpu.memory_space<vmem>>
      %dma_wait3A_194 = tpu.memref_squeeze %dma_wait3A_193 : memref<1x40x128xf32, #tpu.memory_space<vmem>> -> memref<40x128xf32, #tpu.memory_space<vmem>>
      %dma_wait3A_195 = arith.constant 0 : i32
      %dma_wait3A_196 = tpu.memref_slice %arg6[%dma_wait3A_195] : memref<10000xi32, #tpu.memory_space<vmem>> -> memref<40xi32, #tpu.memory_space<vmem>>
      %dma_wait3A_197 = arith.constant 0 : i32
      %dma_wait3A_198 = arith.constant 0 : i32
      %dma_wait3A_199 = tpu.memref_slice %arg2[%dma_wait3A_197, %dma_wait3A_198] : memref<10240x128xf32, #tpu.memory_space<hbm>> -> memref<10240x128xf32, #tpu.memory_space<hbm>>
      %dma_wait3A_200 = tpu.memref_slice %arg10[%dma_wait3A_190] : memref<5x!tpu.dma_semaphore, #tpu.memory_space<semaphore_mem>> -> memref<1x!tpu.dma_semaphore, #tpu.memory_space<semaphore_mem>>
      %dma_wait3A_201 = tpu.memref_squeeze %dma_wait3A_200 : memref<1x!tpu.dma_semaphore, #tpu.memory_space<semaphore_mem>> -> memref<!tpu.dma_semaphore, #tpu.memory_space<semaphore_mem>>
      tpu.wait_indirect_dma semaphore(%dma_wait3A_201 : memref<!tpu.dma_semaphore, #tpu.memory_space<semaphore_mem>>) src(%dma_wait3A_199 : memref<10240x128xf32, #tpu.memory_space<hbm>>) dst(%dma_wait3A_194 : memref<40x128xf32, #tpu.memory_space<vmem>>)
      %mul3A_202 = arith.constant 40 : i32
      %mul3A_203 = arith.muli %add3A_188, %mul3A_202 : i32
      %dma_start3A_204 = arith.constant 2 : i32
      %dma_start3A_205 = arith.constant 2 : i32
      %dma_start3A_206 = arith.constant 0 : i32
      %dma_start3A_207 = arith.constant 0 : i32
      %dma_start3A_208 = tpu.memref_slice %arg8[%dma_start3A_204, %dma_start3A_206, %dma_start3A_207] : memref<5x40x128xf32, #tpu.memory_space<vmem>> -> memref<1x40x128xf32, #tpu.memory_space<vmem>>
      %dma_start3A_209 = tpu.memref_squeeze %dma_start3A_208 : memref<1x40x128xf32, #tpu.memory_space<vmem>> -> memref<40x128xf32, #tpu.memory_space<vmem>>
      %dma_start3A_210 = tpu.memref_slice %arg7[%mul3A_203] : memref<10000xi32, #tpu.memory_space<vmem>> -> memref<40xi32, #tpu.memory_space<vmem>>
      %dma_start3A_211 = arith.constant 0 : i32
      %dma_start3A_212 = arith.constant 0 : i32
      %dma_start3A_213 = tpu.memref_slice %arg9[%dma_start3A_211, %dma_start3A_212] : memref<10240x128xf32, #tpu.memory_space<vmem_shared>> -> memref<10240x128xf32, #tpu.memory_space<vmem_shared>>
      %dma_start3A_214 = tpu.memref_slice %arg11[%dma_start3A_205] : memref<5x!tpu.dma_semaphore, #tpu.memory_space<semaphore_mem>> -> memref<1x!tpu.dma_semaphore, #tpu.memory_space<semaphore_mem>>
      %dma_start3A_215 = tpu.memref_squeeze %dma_start3A_214 : memref<1x!tpu.dma_semaphore, #tpu.memory_space<semaphore_mem>> -> memref<!tpu.dma_semaphore, #tpu.memory_space<semaphore_mem>>
      tpu.enqueue_indirect_dma source(%dma_start3A_209 : memref<40x128xf32, #tpu.memory_space<vmem>>) target(%dma_start3A_213 : memref<10240x128xf32, #tpu.memory_space<vmem_shared>>) offsets(%dma_start3A_210 : memref<40xi32, #tpu.memory_space<vmem>>) semaphore(%dma_start3A_215 : memref<!tpu.dma_semaphore, #tpu.memory_space<semaphore_mem>>) {add = true}
      %dma_wait3A_216 = arith.constant 2 : i32
      %dma_wait3A_217 = arith.constant 2 : i32
      %dma_wait3A_218 = arith.constant 0 : i32
      %dma_wait3A_219 = arith.constant 0 : i32
      %dma_wait3A_220 = tpu.memref_slice %arg8[%dma_wait3A_216, %dma_wait3A_218, %dma_wait3A_219] : memref<5x40x128xf32, #tpu.memory_space<vmem>> -> memref<1x40x128xf32, #tpu.memory_space<vmem>>
      %dma_wait3A_221 = tpu.memref_squeeze %dma_wait3A_220 : memref<1x40x128xf32, #tpu.memory_space<vmem>> -> memref<40x128xf32, #tpu.memory_space<vmem>>
      %dma_wait3A_222 = arith.constant 0 : i32
      %dma_wait3A_223 = tpu.memref_slice %arg7[%dma_wait3A_222] : memref<10000xi32, #tpu.memory_space<vmem>> -> memref<40xi32, #tpu.memory_space<vmem>>
      %dma_wait3A_224 = arith.constant 0 : i32
      %dma_wait3A_225 = arith.constant 0 : i32
      %dma_wait3A_226 = tpu.memref_slice %arg9[%dma_wait3A_224, %dma_wait3A_225] : memref<10240x128xf32, #tpu.memory_space<vmem_shared>> -> memref<10240x128xf32, #tpu.memory_space<vmem_shared>>
      %dma_wait3A_227 = tpu.memref_slice %arg11[%dma_wait3A_217] : memref<5x!tpu.dma_semaphore, #tpu.memory_space<semaphore_mem>> -> memref<1x!tpu.dma_semaphore, #tpu.memory_space<semaphore_mem>>
      %dma_wait3A_228 = tpu.memref_squeeze %dma_wait3A_227 : memref<1x!tpu.dma_semaphore, #tpu.memory_space<semaphore_mem>> -> memref<!tpu.dma_semaphore, #tpu.memory_space<semaphore_mem>>
      tpu.wait_indirect_dma semaphore(%dma_wait3A_228 : memref<!tpu.dma_semaphore, #tpu.memory_space<semaphore_mem>>) src(%dma_wait3A_221 : memref<40x128xf32, #tpu.memory_space<vmem>>) dst(%dma_wait3A_226 : memref<10240x128xf32, #tpu.memory_space<vmem_shared>>)
      %add3A_229 = arith.constant 5 : i32
      %add3A_230 = arith.addi %add3A_188, %add3A_229 : i32
      %lt3A_231 = arith.constant 250 : i32
      %lt3A_232 = arith.cmpi slt, %add3A_230, %lt3A_231 : i32
      %convert_element_type3A_233 = arith.extui %lt3A_232 : i1 to i32
      %cond3A_234 = arith.constant 0 : i32
      %cond3A_235 = arith.cmpi ne, %convert_element_type3A_233, %cond3A_234 : i32
      scf.if %cond3A_235 {
        %add3A_334 = arith.constant 5 : i32
        %add3A_335 = arith.addi %add3A_188, %add3A_334 : i32
        %mul3A_336 = arith.constant 40 : i32
        %mul3A_337 = arith.muli %add3A_335, %mul3A_336 : i32
        %dma_start3A_338 = arith.constant 2 : i32
        %dma_start3A_339 = arith.constant 2 : i32
        %dma_start3A_340 = arith.constant 0 : i32
        %dma_start3A_341 = arith.constant 0 : i32
        %dma_start3A_342 = tpu.memref_slice %arg8[%dma_start3A_338, %dma_start3A_340, %dma_start3A_341] : memref<5x40x128xf32, #tpu.memory_space<vmem>> -> memref<1x40x128xf32, #tpu.memory_space<vmem>>
        %dma_start3A_343 = tpu.memref_squeeze %dma_start3A_342 : memref<1x40x128xf32, #tpu.memory_space<vmem>> -> memref<40x128xf32, #tpu.memory_space<vmem>>
        %dma_start3A_344 = tpu.memref_slice %arg6[%mul3A_337] : memref<10000xi32, #tpu.memory_space<vmem>> -> memref<40xi32, #tpu.memory_space<vmem>>
        %dma_start3A_345 = arith.constant 0 : i32
        %dma_start3A_346 = arith.constant 0 : i32
        %dma_start3A_347 = tpu.memref_slice %arg2[%dma_start3A_345, %dma_start3A_346] : memref<10240x128xf32, #tpu.memory_space<hbm>> -> memref<10240x128xf32, #tpu.memory_space<hbm>>
        %dma_start3A_348 = tpu.memref_slice %arg10[%dma_start3A_339] : memref<5x!tpu.dma_semaphore, #tpu.memory_space<semaphore_mem>> -> memref<1x!tpu.dma_semaphore, #tpu.memory_space<semaphore_mem>>
        %dma_start3A_349 = tpu.memref_squeeze %dma_start3A_348 : memref<1x!tpu.dma_semaphore, #tpu.memory_space<semaphore_mem>> -> memref<!tpu.dma_semaphore, #tpu.memory_space<semaphore_mem>>
        tpu.enqueue_indirect_dma source(%dma_start3A_347 : memref<10240x128xf32, #tpu.memory_space<hbm>>) target(%dma_start3A_343 : memref<40x128xf32, #tpu.memory_space<vmem>>) offsets(%dma_start3A_344 : memref<40xi32, #tpu.memory_space<vmem>>) semaphore(%dma_start3A_349 : memref<!tpu.dma_semaphore, #tpu.memory_space<semaphore_mem>>)
      } else {
      }
      %add3A_236 = arith.constant 3 : i32
      %add3A_237 = arith.addi %add3A_90, %add3A_236 : i32
      %dma_wait3A_238 = arith.constant 3 : i32
      %dma_wait3A_239 = arith.constant 3 : i32
      %dma_wait3A_240 = arith.constant 0 : i32
      %dma_wait3A_241 = arith.constant 0 : i32
      %dma_wait3A_242 = tpu.memref_slice %arg8[%dma_wait3A_238, %dma_wait3A_240, %dma_wait3A_241] : memref<5x40x128xf32, #tpu.memory_space<vmem>> -> memref<1x40x128xf32, #tpu.memory_space<vmem>>
      %dma_wait3A_243 = tpu.memref_squeeze %dma_wait3A_242 : memref<1x40x128xf32, #tpu.memory_space<vmem>> -> memref<40x128xf32, #tpu.memory_space<vmem>>
      %dma_wait3A_244 = arith.constant 0 : i32
      %dma_wait3A_245 = tpu.memref_slice %arg6[%dma_wait3A_244] : memref<10000xi32, #tpu.memory_space<vmem>> -> memref<40xi32, #tpu.memory_space<vmem>>
      %dma_wait3A_246 = arith.constant 0 : i32
      %dma_wait3A_247 = arith.constant 0 : i32
      %dma_wait3A_248 = tpu.memref_slice %arg2[%dma_wait3A_246, %dma_wait3A_247] : memref<10240x128xf32, #tpu.memory_space<hbm>> -> memref<10240x128xf32, #tpu.memory_space<hbm>>
      %dma_wait3A_249 = tpu.memref_slice %arg10[%dma_wait3A_239] : memref<5x!tpu.dma_semaphore, #tpu.memory_space<semaphore_mem>> -> memref<1x!tpu.dma_semaphore, #tpu.memory_space<semaphore_mem>>
      %dma_wait3A_250 = tpu.memref_squeeze %dma_wait3A_249 : memref<1x!tpu.dma_semaphore, #tpu.memory_space<semaphore_mem>> -> memref<!tpu.dma_semaphore, #tpu.memory_space<semaphore_mem>>
      tpu.wait_indirect_dma semaphore(%dma_wait3A_250 : memref<!tpu.dma_semaphore, #tpu.memory_space<semaphore_mem>>) src(%dma_wait3A_248 : memref<10240x128xf32, #tpu.memory_space<hbm>>) dst(%dma_wait3A_243 : memref<40x128xf32, #tpu.memory_space<vmem>>)
      %mul3A_251 = arith.constant 40 : i32
      %mul3A_252 = arith.muli %add3A_237, %mul3A_251 : i32
      %dma_start3A_253 = arith.constant 3 : i32
      %dma_start3A_254 = arith.constant 3 : i32
      %dma_start3A_255 = arith.constant 0 : i32
      %dma_start3A_256 = arith.constant 0 : i32
      %dma_start3A_257 = tpu.memref_slice %arg8[%dma_start3A_253, %dma_start3A_255, %dma_start3A_256] : memref<5x40x128xf32, #tpu.memory_space<vmem>> -> memref<1x40x128xf32, #tpu.memory_space<vmem>>
      %dma_start3A_258 = tpu.memref_squeeze %dma_start3A_257 : memref<1x40x128xf32, #tpu.memory_space<vmem>> -> memref<40x128xf32, #tpu.memory_space<vmem>>
      %dma_start3A_259 = tpu.memref_slice %arg7[%mul3A_252] : memref<10000xi32, #tpu.memory_space<vmem>> -> memref<40xi32, #tpu.memory_space<vmem>>
      %dma_start3A_260 = arith.constant 0 : i32
      %dma_start3A_261 = arith.constant 0 : i32
      %dma_start3A_262 = tpu.memref_slice %arg9[%dma_start3A_260, %dma_start3A_261] : memref<10240x128xf32, #tpu.memory_space<vmem_shared>> -> memref<10240x128xf32, #tpu.memory_space<vmem_shared>>
      %dma_start3A_263 = tpu.memref_slice %arg11[%dma_start3A_254] : memref<5x!tpu.dma_semaphore, #tpu.memory_space<semaphore_mem>> -> memref<1x!tpu.dma_semaphore, #tpu.memory_space<semaphore_mem>>
      %dma_start3A_264 = tpu.memref_squeeze %dma_start3A_263 : memref<1x!tpu.dma_semaphore, #tpu.memory_space<semaphore_mem>> -> memref<!tpu.dma_semaphore, #tpu.memory_space<semaphore_mem>>
      tpu.enqueue_indirect_dma source(%dma_start3A_258 : memref<40x128xf32, #tpu.memory_space<vmem>>) target(%dma_start3A_262 : memref<10240x128xf32, #tpu.memory_space<vmem_shared>>) offsets(%dma_start3A_259 : memref<40xi32, #tpu.memory_space<vmem>>) semaphore(%dma_start3A_264 : memref<!tpu.dma_semaphore, #tpu.memory_space<semaphore_mem>>) {add = true}
      %dma_wait3A_265 = arith.constant 3 : i32
      %dma_wait3A_266 = arith.constant 3 : i32
      %dma_wait3A_267 = arith.constant 0 : i32
      %dma_wait3A_268 = arith.constant 0 : i32
      %dma_wait3A_269 = tpu.memref_slice %arg8[%dma_wait3A_265, %dma_wait3A_267, %dma_wait3A_268] : memref<5x40x128xf32, #tpu.memory_space<vmem>> -> memref<1x40x128xf32, #tpu.memory_space<vmem>>
      %dma_wait3A_270 = tpu.memref_squeeze %dma_wait3A_269 : memref<1x40x128xf32, #tpu.memory_space<vmem>> -> memref<40x128xf32, #tpu.memory_space<vmem>>
      %dma_wait3A_271 = arith.constant 0 : i32
      %dma_wait3A_272 = tpu.memref_slice %arg7[%dma_wait3A_271] : memref<10000xi32, #tpu.memory_space<vmem>> -> memref<40xi32, #tpu.memory_space<vmem>>
      %dma_wait3A_273 = arith.constant 0 : i32
      %dma_wait3A_274 = arith.constant 0 : i32
      %dma_wait3A_275 = tpu.memref_slice %arg9[%dma_wait3A_273, %dma_wait3A_274] : memref<10240x128xf32, #tpu.memory_space<vmem_shared>> -> memref<10240x128xf32, #tpu.memory_space<vmem_shared>>
      %dma_wait3A_276 = tpu.memref_slice %arg11[%dma_wait3A_266] : memref<5x!tpu.dma_semaphore, #tpu.memory_space<semaphore_mem>> -> memref<1x!tpu.dma_semaphore, #tpu.memory_space<semaphore_mem>>
      %dma_wait3A_277 = tpu.memref_squeeze %dma_wait3A_276 : memref<1x!tpu.dma_semaphore, #tpu.memory_space<semaphore_mem>> -> memref<!tpu.dma_semaphore, #tpu.memory_space<semaphore_mem>>
      tpu.wait_indirect_dma semaphore(%dma_wait3A_277 : memref<!tpu.dma_semaphore, #tpu.memory_space<semaphore_mem>>) src(%dma_wait3A_270 : memref<40x128xf32, #tpu.memory_space<vmem>>) dst(%dma_wait3A_275 : memref<10240x128xf32, #tpu.memory_space<vmem_shared>>)
      %add3A_278 = arith.constant 5 : i32
      %add3A_279 = arith.addi %add3A_237, %add3A_278 : i32
      %lt3A_280 = arith.constant 250 : i32
      %lt3A_281 = arith.cmpi slt, %add3A_279, %lt3A_280 : i32
      %convert_element_type3A_282 = arith.extui %lt3A_281 : i1 to i32
      %cond3A_283 = arith.constant 0 : i32
      %cond3A_284 = arith.cmpi ne, %convert_element_type3A_282, %cond3A_283 : i32
      scf.if %cond3A_284 {
        %add3A_334 = arith.constant 5 : i32
        %add3A_335 = arith.addi %add3A_237, %add3A_334 : i32
        %mul3A_336 = arith.constant 40 : i32
        %mul3A_337 = arith.muli %add3A_335, %mul3A_336 : i32
        %dma_start3A_338 = arith.constant 3 : i32
        %dma_start3A_339 = arith.constant 3 : i32
        %dma_start3A_340 = arith.constant 0 : i32
        %dma_start3A_341 = arith.constant 0 : i32
        %dma_start3A_342 = tpu.memref_slice %arg8[%dma_start3A_338, %dma_start3A_340, %dma_start3A_341] : memref<5x40x128xf32, #tpu.memory_space<vmem>> -> memref<1x40x128xf32, #tpu.memory_space<vmem>>
        %dma_start3A_343 = tpu.memref_squeeze %dma_start3A_342 : memref<1x40x128xf32, #tpu.memory_space<vmem>> -> memref<40x128xf32, #tpu.memory_space<vmem>>
        %dma_start3A_344 = tpu.memref_slice %arg6[%mul3A_337] : memref<10000xi32, #tpu.memory_space<vmem>> -> memref<40xi32, #tpu.memory_space<vmem>>
        %dma_start3A_345 = arith.constant 0 : i32
        %dma_start3A_346 = arith.constant 0 : i32
        %dma_start3A_347 = tpu.memref_slice %arg2[%dma_start3A_345, %dma_start3A_346] : memref<10240x128xf32, #tpu.memory_space<hbm>> -> memref<10240x128xf32, #tpu.memory_space<hbm>>
        %dma_start3A_348 = tpu.memref_slice %arg10[%dma_start3A_339] : memref<5x!tpu.dma_semaphore, #tpu.memory_space<semaphore_mem>> -> memref<1x!tpu.dma_semaphore, #tpu.memory_space<semaphore_mem>>
        %dma_start3A_349 = tpu.memref_squeeze %dma_start3A_348 : memref<1x!tpu.dma_semaphore, #tpu.memory_space<semaphore_mem>> -> memref<!tpu.dma_semaphore, #tpu.memory_space<semaphore_mem>>
        tpu.enqueue_indirect_dma source(%dma_start3A_347 : memref<10240x128xf32, #tpu.memory_space<hbm>>) target(%dma_start3A_343 : memref<40x128xf32, #tpu.memory_space<vmem>>) offsets(%dma_start3A_344 : memref<40xi32, #tpu.memory_space<vmem>>) semaphore(%dma_start3A_349 : memref<!tpu.dma_semaphore, #tpu.memory_space<semaphore_mem>>)
      } else {
      }
      %add3A_285 = arith.constant 4 : i32
      %add3A_286 = arith.addi %add3A_90, %add3A_285 : i32
      %dma_wait3A_287 = arith.constant 4 : i32
      %dma_wait3A_288 = arith.constant 4 : i32
      %dma_wait3A_289 = arith.constant 0 : i32
      %dma_wait3A_290 = arith.constant 0 : i32
      %dma_wait3A_291 = tpu.memref_slice %arg8[%dma_wait3A_287, %dma_wait3A_289, %dma_wait3A_290] : memref<5x40x128xf32, #tpu.memory_space<vmem>> -> memref<1x40x128xf32, #tpu.memory_space<vmem>>
      %dma_wait3A_292 = tpu.memref_squeeze %dma_wait3A_291 : memref<1x40x128xf32, #tpu.memory_space<vmem>> -> memref<40x128xf32, #tpu.memory_space<vmem>>
      %dma_wait3A_293 = arith.constant 0 : i32
      %dma_wait3A_294 = tpu.memref_slice %arg6[%dma_wait3A_293] : memref<10000xi32, #tpu.memory_space<vmem>> -> memref<40xi32, #tpu.memory_space<vmem>>
      %dma_wait3A_295 = arith.constant 0 : i32
      %dma_wait3A_296 = arith.constant 0 : i32
      %dma_wait3A_297 = tpu.memref_slice %arg2[%dma_wait3A_295, %dma_wait3A_296] : memref<10240x128xf32, #tpu.memory_space<hbm>> -> memref<10240x128xf32, #tpu.memory_space<hbm>>
      %dma_wait3A_298 = tpu.memref_slice %arg10[%dma_wait3A_288] : memref<5x!tpu.dma_semaphore, #tpu.memory_space<semaphore_mem>> -> memref<1x!tpu.dma_semaphore, #tpu.memory_space<semaphore_mem>>
      %dma_wait3A_299 = tpu.memref_squeeze %dma_wait3A_298 : memref<1x!tpu.dma_semaphore, #tpu.memory_space<semaphore_mem>> -> memref<!tpu.dma_semaphore, #tpu.memory_space<semaphore_mem>>
      tpu.wait_indirect_dma semaphore(%dma_wait3A_299 : memref<!tpu.dma_semaphore, #tpu.memory_space<semaphore_mem>>) src(%dma_wait3A_297 : memref<10240x128xf32, #tpu.memory_space<hbm>>) dst(%dma_wait3A_292 : memref<40x128xf32, #tpu.memory_space<vmem>>)
      %mul3A_300 = arith.constant 40 : i32
      %mul3A_301 = arith.muli %add3A_286, %mul3A_300 : i32
      %dma_start3A_302 = arith.constant 4 : i32
      %dma_start3A_303 = arith.constant 4 : i32
      %dma_start3A_304 = arith.constant 0 : i32
      %dma_start3A_305 = arith.constant 0 : i32
      %dma_start3A_306 = tpu.memref_slice %arg8[%dma_start3A_302, %dma_start3A_304, %dma_start3A_305] : memref<5x40x128xf32, #tpu.memory_space<vmem>> -> memref<1x40x128xf32, #tpu.memory_space<vmem>>
      %dma_start3A_307 = tpu.memref_squeeze %dma_start3A_306 : memref<1x40x128xf32, #tpu.memory_space<vmem>> -> memref<40x128xf32, #tpu.memory_space<vmem>>
      %dma_start3A_308 = tpu.memref_slice %arg7[%mul3A_301] : memref<10000xi32, #tpu.memory_space<vmem>> -> memref<40xi32, #tpu.memory_space<vmem>>
      %dma_start3A_309 = arith.constant 0 : i32
      %dma_start3A_310 = arith.constant 0 : i32
      %dma_start3A_311 = tpu.memref_slice %arg9[%dma_start3A_309, %dma_start3A_310] : memref<10240x128xf32, #tpu.memory_space<vmem_shared>> -> memref<10240x128xf32, #tpu.memory_space<vmem_shared>>
      %dma_start3A_312 = tpu.memref_slice %arg11[%dma_start3A_303] : memref<5x!tpu.dma_semaphore, #tpu.memory_space<semaphore_mem>> -> memref<1x!tpu.dma_semaphore, #tpu.memory_space<semaphore_mem>>
      %dma_start3A_313 = tpu.memref_squeeze %dma_start3A_312 : memref<1x!tpu.dma_semaphore, #tpu.memory_space<semaphore_mem>> -> memref<!tpu.dma_semaphore, #tpu.memory_space<semaphore_mem>>
      tpu.enqueue_indirect_dma source(%dma_start3A_307 : memref<40x128xf32, #tpu.memory_space<vmem>>) target(%dma_start3A_311 : memref<10240x128xf32, #tpu.memory_space<vmem_shared>>) offsets(%dma_start3A_308 : memref<40xi32, #tpu.memory_space<vmem>>) semaphore(%dma_start3A_313 : memref<!tpu.dma_semaphore, #tpu.memory_space<semaphore_mem>>) {add = true}
      %dma_wait3A_314 = arith.constant 4 : i32
      %dma_wait3A_315 = arith.constant 4 : i32
      %dma_wait3A_316 = arith.constant 0 : i32
      %dma_wait3A_317 = arith.constant 0 : i32
      %dma_wait3A_318 = tpu.memref_slice %arg8[%dma_wait3A_314, %dma_wait3A_316, %dma_wait3A_317] : memref<5x40x128xf32, #tpu.memory_space<vmem>> -> memref<1x40x128xf32, #tpu.memory_space<vmem>>
      %dma_wait3A_319 = tpu.memref_squeeze %dma_wait3A_318 : memref<1x40x128xf32, #tpu.memory_space<vmem>> -> memref<40x128xf32, #tpu.memory_space<vmem>>
      %dma_wait3A_320 = arith.constant 0 : i32
      %dma_wait3A_321 = tpu.memref_slice %arg7[%dma_wait3A_320] : memref<10000xi32, #tpu.memory_space<vmem>> -> memref<40xi32, #tpu.memory_space<vmem>>
      %dma_wait3A_322 = arith.constant 0 : i32
      %dma_wait3A_323 = arith.constant 0 : i32
      %dma_wait3A_324 = tpu.memref_slice %arg9[%dma_wait3A_322, %dma_wait3A_323] : memref<10240x128xf32, #tpu.memory_space<vmem_shared>> -> memref<10240x128xf32, #tpu.memory_space<vmem_shared>>
      %dma_wait3A_325 = tpu.memref_slice %arg11[%dma_wait3A_315] : memref<5x!tpu.dma_semaphore, #tpu.memory_space<semaphore_mem>> -> memref<1x!tpu.dma_semaphore, #tpu.memory_space<semaphore_mem>>
      %dma_wait3A_326 = tpu.memref_squeeze %dma_wait3A_325 : memref<1x!tpu.dma_semaphore, #tpu.memory_space<semaphore_mem>> -> memref<!tpu.dma_semaphore, #tpu.memory_space<semaphore_mem>>
      tpu.wait_indirect_dma semaphore(%dma_wait3A_326 : memref<!tpu.dma_semaphore, #tpu.memory_space<semaphore_mem>>) src(%dma_wait3A_319 : memref<40x128xf32, #tpu.memory_space<vmem>>) dst(%dma_wait3A_324 : memref<10240x128xf32, #tpu.memory_space<vmem_shared>>)
      %add3A_327 = arith.constant 5 : i32
      %add3A_328 = arith.addi %add3A_286, %add3A_327 : i32
      %lt3A_329 = arith.constant 250 : i32
      %lt3A_330 = arith.cmpi slt, %add3A_328, %lt3A_329 : i32
      %convert_element_type3A_331 = arith.extui %lt3A_330 : i1 to i32
      %cond3A_332 = arith.constant 0 : i32
      %cond3A_333 = arith.cmpi ne, %convert_element_type3A_331, %cond3A_332 : i32
      scf.if %cond3A_333 {
        %add3A_334 = arith.constant 5 : i32
        %add3A_335 = arith.addi %add3A_286, %add3A_334 : i32
        %mul3A_336 = arith.constant 40 : i32
        %mul3A_337 = arith.muli %add3A_335, %mul3A_336 : i32
        %dma_start3A_338 = arith.constant 4 : i32
        %dma_start3A_339 = arith.constant 4 : i32
        %dma_start3A_340 = arith.constant 0 : i32
        %dma_start3A_341 = arith.constant 0 : i32
        %dma_start3A_342 = tpu.memref_slice %arg8[%dma_start3A_338, %dma_start3A_340, %dma_start3A_341] : memref<5x40x128xf32, #tpu.memory_space<vmem>> -> memref<1x40x128xf32, #tpu.memory_space<vmem>>
        %dma_start3A_343 = tpu.memref_squeeze %dma_start3A_342 : memref<1x40x128xf32, #tpu.memory_space<vmem>> -> memref<40x128xf32, #tpu.memory_space<vmem>>
        %dma_start3A_344 = tpu.memref_slice %arg6[%mul3A_337] : memref<10000xi32, #tpu.memory_space<vmem>> -> memref<40xi32, #tpu.memory_space<vmem>>
        %dma_start3A_345 = arith.constant 0 : i32
        %dma_start3A_346 = arith.constant 0 : i32
        %dma_start3A_347 = tpu.memref_slice %arg2[%dma_start3A_345, %dma_start3A_346] : memref<10240x128xf32, #tpu.memory_space<hbm>> -> memref<10240x128xf32, #tpu.memory_space<hbm>>
        %dma_start3A_348 = tpu.memref_slice %arg10[%dma_start3A_339] : memref<5x!tpu.dma_semaphore, #tpu.memory_space<semaphore_mem>> -> memref<1x!tpu.dma_semaphore, #tpu.memory_space<semaphore_mem>>
        %dma_start3A_349 = tpu.memref_squeeze %dma_start3A_348 : memref<1x!tpu.dma_semaphore, #tpu.memory_space<semaphore_mem>> -> memref<!tpu.dma_semaphore, #tpu.memory_space<semaphore_mem>>
        tpu.enqueue_indirect_dma source(%dma_start3A_347 : memref<10240x128xf32, #tpu.memory_space<hbm>>) target(%dma_start3A_343 : memref<40x128xf32, #tpu.memory_space<vmem>>) offsets(%dma_start3A_344 : memref<40xi32, #tpu.memory_space<vmem>>) semaphore(%dma_start3A_349 : memref<!tpu.dma_semaphore, #tpu.memory_space<semaphore_mem>>)
      } else {
      }
    }
    %scan3A_81 = arith.constant 50 : i32
    %barrier3A_82 = arith.constant 0 : index
    tpu.barrier barrier_id(%barrier3A_82)
    %mul3A_83 = arith.constant 10240 : i32
    %mul3A_84 = arith.muli %arg0, %mul3A_83 : i32
    %add3A_85 = arith.addi %mul3A_84, %mul3A_0 : i32
    "tpu.region"() ({
      %run_scoped3A = tpu.sem_alloc : memref<!tpu.dma_semaphore, #tpu.memory_space<semaphore_mem>>
      %dma_start3A_86 = arith.constant 0 : i32
      %dma_start3A_87 = tpu.memref_slice %arg5[%add3A_85, %dma_start3A_86] : memref<20480x128xf32, #tpu.memory_space<hbm>> -> memref<640x128xf32, #tpu.memory_space<hbm>>
      %dma_start3A_88 = arith.constant 0 : i32
      %dma_start3A_89 = tpu.memref_slice %arg9[%mul3A_0, %dma_start3A_88] : memref<10240x128xf32, #tpu.memory_space<vmem_shared>> -> memref<640x128xf32, #tpu.memory_space<vmem_shared>>
      tpu.enqueue_dma source(%dma_start3A_89 : memref<640x128xf32, #tpu.memory_space<vmem_shared>>) target(%dma_start3A_87 : memref<640x128xf32, #tpu.memory_space<hbm>>) target_semaphore(%run_scoped3A : memref<!tpu.dma_semaphore, #tpu.memory_space<semaphore_mem>>)
      %dma_wait3A = arith.constant 0 : i32
      %dma_wait3A_90 = tpu.memref_slice %arg5[%add3A_85, %dma_wait3A] : memref<20480x128xf32, #tpu.memory_space<hbm>> -> memref<640x128xf32, #tpu.memory_space<hbm>>
      %dma_wait3A_91 = arith.constant 0 : i32
      %dma_wait3A_92 = tpu.memref_slice %arg9[%mul3A_0, %dma_wait3A_91] : memref<10240x128xf32, #tpu.memory_space<vmem_shared>> -> memref<640x128xf32, #tpu.memory_space<vmem_shared>>
      tpu.wait_dma2 semaphore(%run_scoped3A : memref<!tpu.dma_semaphore, #tpu.memory_space<semaphore_mem>>) src(%dma_wait3A_92 : memref<640x128xf32, #tpu.memory_space<vmem_shared>>) dst(%dma_wait3A_90 : memref<640x128xf32, #tpu.memory_space<hbm>>)
      tpu.yield
    }) : () -> ()
    return
  }
}

#map = affine_map<(d0, d1) -> (0)>
module attributes {stable_mosaic.version = 14 : i64} {
  func.func @_deg_call(%arg0: i32, %arg1: i32, %arg2: memref<640000xi32, #tpu.memory_space<hbm>>, %arg3: memref<10240xf32, #tpu.memory_space<hbm>>, %arg4: memref<327680xf32, #tpu.memory_space<hbm>>, %arg5: memref<10000xi32, #tpu.memory_space<vmem>>, %arg6: memref<10240xf32, #tpu.memory_space<vmem>>) attributes {dimension_semantics = [#tpu.dimension_semantics<core_parallel>, #tpu.dimension_semantics<subcore_parallel>], iteration_bounds = array<i64: 2, 16>, scalar_prefetch = 0 : i64, scratch_operands = 2 : i64, tpu.core_type = #tpu.core_type<sc_vector_subcore>, window_params = [{transform_indices = #map}, {transform_indices = #map}, {transform_indices = #map}]} {
    %mul3A = arith.constant 16 : i32
    %mul3A_0 = arith.muli %arg0, %mul3A : i32
    %add3A = arith.addi %mul3A_0, %arg1 : i32
    "tpu.region"() ({
      %run_scoped3A = tpu.sem_alloc : memref<!tpu.dma_semaphore, #tpu.memory_space<semaphore_mem>>
      tpu.enqueue_dma source(%arg3 : memref<10240xf32, #tpu.memory_space<hbm>>) target(%arg6 : memref<10240xf32, #tpu.memory_space<vmem>>) target_semaphore(%run_scoped3A : memref<!tpu.dma_semaphore, #tpu.memory_space<semaphore_mem>>)
      tpu.wait_dma2 semaphore(%run_scoped3A : memref<!tpu.dma_semaphore, #tpu.memory_space<semaphore_mem>>) src(%arg3 : memref<10240xf32, #tpu.memory_space<hbm>>) dst(%arg6 : memref<10240xf32, #tpu.memory_space<vmem>>)
      tpu.yield
    }) : () -> ()
    %mul3A_1 = arith.constant 10000 : i32
    %mul3A_2 = arith.muli %add3A, %mul3A_1 : i32
    %add3A_3 = arith.constant 320000 : i32
    %add3A_4 = arith.addi %add3A_3, %mul3A_2 : i32
    "tpu.region"() ({
      %run_scoped3A = tpu.sem_alloc : memref<!tpu.dma_semaphore, #tpu.memory_space<semaphore_mem>>
      %dma_start3A = tpu.memref_slice %arg2[%add3A_4] : memref<640000xi32, #tpu.memory_space<hbm>> -> memref<10000xi32, #tpu.memory_space<hbm>>
      %dma_start3A_12 = tpu.memref_slice %arg2[%add3A_4] : memref<640000xi32, #tpu.memory_space<hbm>> -> memref<10000xi32, #tpu.memory_space<hbm>>
      tpu.enqueue_dma source(%dma_start3A_12 : memref<10000xi32, #tpu.memory_space<hbm>>) target(%arg5 : memref<10000xi32, #tpu.memory_space<vmem>>) target_semaphore(%run_scoped3A : memref<!tpu.dma_semaphore, #tpu.memory_space<semaphore_mem>>)
      %dma_wait3A = tpu.memref_slice %arg2[%add3A_4] : memref<640000xi32, #tpu.memory_space<hbm>> -> memref<10000xi32, #tpu.memory_space<hbm>>
      %dma_wait3A_13 = tpu.memref_slice %arg2[%add3A_4] : memref<640000xi32, #tpu.memory_space<hbm>> -> memref<10000xi32, #tpu.memory_space<hbm>>
      tpu.wait_dma2 semaphore(%run_scoped3A : memref<!tpu.dma_semaphore, #tpu.memory_space<semaphore_mem>>) src(%dma_wait3A_13 : memref<10000xi32, #tpu.memory_space<hbm>>) dst(%arg5 : memref<10000xi32, #tpu.memory_space<vmem>>)
      tpu.yield
    }) : () -> ()
    %scan3A = arith.constant 0 : i32
    %scan3A_5 = arith.constant 0 : i32
    %scan3A_6 = arith.constant 125 : i32
    %scan3A_7 = arith.addi %scan3A_5, %scan3A_6 : i32
    %scan3A_8 = arith.constant 1 : i32
    scf.for %scan3A_12 = %scan3A_5 to %scan3A_7 step %scan3A_8  : i32 {
      %mul3A_13 = arith.constant 80 : i32
      %mul3A_14 = arith.muli %scan3A_12, %mul3A_13 : i32
      %multiple_of3A = tpu.assume_multiple %mul3A_14, 8 : i32
      %add3A_15 = arith.constant 0 : i32
      %add3A_16 = arith.addi %multiple_of3A, %add3A_15 : i32
      %get3A = arith.index_cast %add3A_16 : i32 to index
      %get3A_17 = tpu.vector_load %arg5[%get3A] {strides = array<i32>} : memref<10000xi32, #tpu.memory_space<vmem>>, vector<16xi32>,
      %broadcast_in_dim3A = arith.constant true
      %broadcast_in_dim3A_18 = vector.broadcast %broadcast_in_dim3A : i1 to vector<16xi1>
      %unique3A, %unique3A_19 = tpu.scan_count mask(%broadcast_in_dim3A_18 : vector<16xi1>) value(%get3A_17 : vector<16xi32>) : vector<16xi1>, vector<16xi32>
      %convert_element_type3A = arith.sitofp %unique3A_19 : vector<16xi32> to vector<16xf32>
      tpu.vector_store_idx %arg6[%get3A_17], %convert_element_type3A masked %unique3A {add = true} : memref<10240xf32, #tpu.memory_space<vmem>>[vector<16xi32>], vector<16xf32>, vector<16xi1>
      %add3A_20 = arith.constant 16 : i32
      %add3A_21 = arith.addi %multiple_of3A, %add3A_20 : i32
      %get3A_22 = arith.index_cast %add3A_21 : i32 to index
      %get3A_23 = tpu.vector_load %arg5[%get3A_22] {strides = array<i32>} : memref<10000xi32, #tpu.memory_space<vmem>>, vector<16xi32>,
      %broadcast_in_dim3A_24 = arith.constant true
      %broadcast_in_dim3A_25 = vector.broadcast %broadcast_in_dim3A_24 : i1 to vector<16xi1>
      %unique3A_26, %unique3A_27 = tpu.scan_count mask(%broadcast_in_dim3A_25 : vector<16xi1>) value(%get3A_23 : vector<16xi32>) : vector<16xi1>, vector<16xi32>
      %convert_element_type3A_28 = arith.sitofp %unique3A_27 : vector<16xi32> to vector<16xf32>
      tpu.vector_store_idx %arg6[%get3A_23], %convert_element_type3A_28 masked %unique3A_26 {add = true} : memref<10240xf32, #tpu.memory_space<vmem>>[vector<16xi32>], vector<16xf32>, vector<16xi1>
      %add3A_29 = arith.constant 32 : i32
      %add3A_30 = arith.addi %multiple_of3A, %add3A_29 : i32
      %get3A_31 = arith.index_cast %add3A_30 : i32 to index
      %get3A_32 = tpu.vector_load %arg5[%get3A_31] {strides = array<i32>} : memref<10000xi32, #tpu.memory_space<vmem>>, vector<16xi32>,
      %broadcast_in_dim3A_33 = arith.constant true
      %broadcast_in_dim3A_34 = vector.broadcast %broadcast_in_dim3A_33 : i1 to vector<16xi1>
      %unique3A_35, %unique3A_36 = tpu.scan_count mask(%broadcast_in_dim3A_34 : vector<16xi1>) value(%get3A_32 : vector<16xi32>) : vector<16xi1>, vector<16xi32>
      %convert_element_type3A_37 = arith.sitofp %unique3A_36 : vector<16xi32> to vector<16xf32>
      tpu.vector_store_idx %arg6[%get3A_32], %convert_element_type3A_37 masked %unique3A_35 {add = true} : memref<10240xf32, #tpu.memory_space<vmem>>[vector<16xi32>], vector<16xf32>, vector<16xi1>
      %add3A_38 = arith.constant 48 : i32
      %add3A_39 = arith.addi %multiple_of3A, %add3A_38 : i32
      %get3A_40 = arith.index_cast %add3A_39 : i32 to index
      %get3A_41 = tpu.vector_load %arg5[%get3A_40] {strides = array<i32>} : memref<10000xi32, #tpu.memory_space<vmem>>, vector<16xi32>,
      %broadcast_in_dim3A_42 = arith.constant true
      %broadcast_in_dim3A_43 = vector.broadcast %broadcast_in_dim3A_42 : i1 to vector<16xi1>
      %unique3A_44, %unique3A_45 = tpu.scan_count mask(%broadcast_in_dim3A_43 : vector<16xi1>) value(%get3A_41 : vector<16xi32>) : vector<16xi1>, vector<16xi32>
      %convert_element_type3A_46 = arith.sitofp %unique3A_45 : vector<16xi32> to vector<16xf32>
      tpu.vector_store_idx %arg6[%get3A_41], %convert_element_type3A_46 masked %unique3A_44 {add = true} : memref<10240xf32, #tpu.memory_space<vmem>>[vector<16xi32>], vector<16xf32>, vector<16xi1>
      %add3A_47 = arith.constant 64 : i32
      %add3A_48 = arith.addi %multiple_of3A, %add3A_47 : i32
      %get3A_49 = arith.index_cast %add3A_48 : i32 to index
      %get3A_50 = tpu.vector_load %arg5[%get3A_49] {strides = array<i32>} : memref<10000xi32, #tpu.memory_space<vmem>>, vector<16xi32>,
      %broadcast_in_dim3A_51 = arith.constant true
      %broadcast_in_dim3A_52 = vector.broadcast %broadcast_in_dim3A_51 : i1 to vector<16xi1>
      %unique3A_53, %unique3A_54 = tpu.scan_count mask(%broadcast_in_dim3A_52 : vector<16xi1>) value(%get3A_50 : vector<16xi32>) : vector<16xi1>, vector<16xi32>
      %convert_element_type3A_55 = arith.sitofp %unique3A_54 : vector<16xi32> to vector<16xf32>
      tpu.vector_store_idx %arg6[%get3A_50], %convert_element_type3A_55 masked %unique3A_53 {add = true} : memref<10240xf32, #tpu.memory_space<vmem>>[vector<16xi32>], vector<16xf32>, vector<16xi1>
    }
    %scan3A_9 = arith.constant 125 : i32
    %mul3A_10 = arith.constant 10240 : i32
    %mul3A_11 = arith.muli %add3A, %mul3A_10 : i32
    "tpu.region"() ({
      %run_scoped3A = tpu.sem_alloc : memref<!tpu.dma_semaphore, #tpu.memory_space<semaphore_mem>>
      %dma_start3A = tpu.memref_slice %arg4[%mul3A_11] : memref<327680xf32, #tpu.memory_space<hbm>> -> memref<10240xf32, #tpu.memory_space<hbm>>
      %dma_start3A_12 = tpu.memref_slice %arg4[%mul3A_11] : memref<327680xf32, #tpu.memory_space<hbm>> -> memref<10240xf32, #tpu.memory_space<hbm>>
      tpu.enqueue_dma source(%arg6 : memref<10240xf32, #tpu.memory_space<vmem>>) target(%dma_start3A_12 : memref<10240xf32, #tpu.memory_space<hbm>>) target_semaphore(%run_scoped3A : memref<!tpu.dma_semaphore, #tpu.memory_space<semaphore_mem>>)
      %dma_wait3A = tpu.memref_slice %arg4[%mul3A_11] : memref<327680xf32, #tpu.memory_space<hbm>> -> memref<10240xf32, #tpu.memory_space<hbm>>
      %dma_wait3A_13 = tpu.memref_slice %arg4[%mul3A_11] : memref<327680xf32, #tpu.memory_space<hbm>> -> memref<10240xf32, #tpu.memory_space<hbm>>
      tpu.wait_dma2 semaphore(%run_scoped3A : memref<!tpu.dma_semaphore, #tpu.memory_space<semaphore_mem>>) src(%arg6 : memref<10240xf32, #tpu.memory_space<vmem>>) dst(%dma_wait3A_13 : memref<10240xf32, #tpu.memory_space<hbm>>)
      tpu.yield
    }) : () -> ()
    return
  }
}

module attributes {stable_mosaic.version = 14 : i64} {
  func.func @_tc0_body(%arg0: memref<10000x128xf32, #tpu.memory_space<vmem>>, %arg1: memref<128x128xf32, #tpu.memory_space<vmem>>, %arg2: memref<10000x128xf32, #tpu.memory_space<vmem>>) attributes {dimension_semantics = [], scalar_prefetch = 0 : i64, scratch_operands = 0 : i64, tpu.core_type = #tpu.core_type<tc>} {
    %get3A = arith.constant 0 : index
    %get3A_0 = arith.constant 0 : index
    %get3A_1 = vector.load %arg0[%get3A, %get3A_0] : memref<10000x128xf32, #tpu.memory_space<vmem>>, vector<10000x128xf32>
    %get3A_2 = arith.constant 0 : index
    %get3A_3 = arith.constant 0 : index
    %get3A_4 = vector.load %arg1[%get3A_2, %get3A_3] : memref<128x128xf32, #tpu.memory_space<vmem>>, vector<128x128xf32>
    %dot_general3A = arith.constant dense<0.000000e+00> : vector<10000x128xf32>
    %dot_general3A_5 = tpu.matmul %get3A_1, %get3A_4, %dot_general3A {dimension_numbers = #tpu.dot_dimension_numbers<[1], [0], [0], [1], [0, 0, 1, 1], [], []>, transpose_lhs_hint = false} : vector<10000x128xf32>, vector<128x128xf32>, vector<10000x128xf32> -> vector<10000x128xf32>
    %swap3A = arith.constant 0 : index
    %swap3A_6 = arith.constant 0 : index
    %swap3A_7 = vector.load %arg2[%swap3A, %swap3A_6] : memref<10000x128xf32, #tpu.memory_space<vmem>>, vector<10000x128xf32>
    tpu.vector_store %arg2[%swap3A, %swap3A_6], %dot_general3A_5 {strides = array<i32>} : memref<10000x128xf32, #tpu.memory_space<vmem>>, vector<10000x128xf32>,
    return
  }
}

module attributes {stable_mosaic.version = 14 : i64} {
  func.func @_tc1_body(%arg0: memref<10000x128xf32, #tpu.memory_space<vmem>>, %arg1: memref<32x10240xf32, #tpu.memory_space<vmem>>, %arg2: memref<10240x128xf32, #tpu.memory_space<vmem>>, %arg3: memref<10000x1xf32, #tpu.memory_space<vmem>>) attributes {dimension_semantics = [], scalar_prefetch = 0 : i64, scratch_operands = 0 : i64, tpu.core_type = #tpu.core_type<tc>} {
    %get3A = arith.constant 0 : index
    %get3A_0 = arith.constant 0 : index
    %get3A_1 = vector.load %arg1[%get3A, %get3A_0] : memref<32x10240xf32, #tpu.memory_space<vmem>>, vector<32x10240xf32>
    %reduce_sum3A = arith.constant dense<0.000000e+00> : vector<10240xf32>
    %reduce_sum3A_2 = vector.multi_reduction <add>, %get3A_1, %reduce_sum3A [0] : vector<32x10240xf32> to vector<10240xf32>
    %slice3A = vector.extract_strided_slice %reduce_sum3A_2 {offsets = [0], sizes = [10000], strides = [1]} : vector<10240xf32> to vector<10000xf32>
    %broadcast_in_dim3A = vector.shape_cast %slice3A : vector<10000xf32> to vector<10000x1xf32>
    %add3A = arith.constant 1.000000e+00 : f32
    %add3A_3 = vector.broadcast %add3A : f32 to vector<10000x1xf32>
    %add3A_4 = arith.addf %broadcast_in_dim3A, %add3A_3 : vector<10000x1xf32>
    %rsqrt3A = math.rsqrt %add3A_4 : vector<10000x1xf32>
    %swap3A = arith.constant 0 : index
    %swap3A_5 = arith.constant 0 : index
    %swap3A_6 = vector.load %arg3[%swap3A, %swap3A_5] : memref<10000x1xf32, #tpu.memory_space<vmem>>, vector<10000x1xf32>
    tpu.vector_store %arg3[%swap3A, %swap3A_5], %rsqrt3A {strides = array<i32>} : memref<10000x1xf32, #tpu.memory_space<vmem>>, vector<10000x1xf32>,
    %get3A_7 = arith.constant 0 : index
    %get3A_8 = arith.constant 0 : index
    %get3A_9 = vector.load %arg0[%get3A_7, %get3A_8] : memref<10000x128xf32, #tpu.memory_space<vmem>>, vector<10000x128xf32>
    %mul3A = vector.broadcast %rsqrt3A : vector<10000x1xf32> to vector<10000x128xf32>
    %mul3A_10 = arith.mulf %get3A_9, %mul3A : vector<10000x128xf32>
    %swap3A_11 = arith.constant 0 : index
    %swap3A_12 = arith.constant 0 : index
    %swap3A_13 = vector.load %arg2[%swap3A_11, %swap3A_12] : memref<10240x128xf32, #tpu.memory_space<vmem>>, vector<10000x128xf32>
    tpu.vector_store %arg2[%swap3A_11, %swap3A_12], %mul3A_10 {strides = array<i32>} : memref<10240x128xf32, #tpu.memory_space<vmem>>, vector<10000x128xf32>,
    %broadcast_in_dim3A_14 = arith.constant 0.000000e+00 : f32
    %broadcast_in_dim3A_15 = vector.broadcast %broadcast_in_dim3A_14 : f32 to vector<240x128xf32>
    %swap3A_16 = arith.constant 10000 : index
    %swap3A_17 = arith.constant 0 : index
    %swap3A_18 = vector.load %arg2[%swap3A_16, %swap3A_17] : memref<10240x128xf32, #tpu.memory_space<vmem>>, vector<240x128xf32>
    tpu.vector_store %arg2[%swap3A_16, %swap3A_17], %broadcast_in_dim3A_15 {strides = array<i32>} : memref<10240x128xf32, #tpu.memory_space<vmem>>, vector<240x128xf32>,
    return
  }
}

module attributes {stable_mosaic.version = 14 : i64} {
  func.func @_tc2_body(%arg0: memref<2x10240x128xf32, #tpu.memory_space<vmem>>, %arg1: memref<10000x1xf32, #tpu.memory_space<vmem>>, %arg2: memref<1x128xf32, #tpu.memory_space<vmem>>, %arg3: memref<128x128xf32, #tpu.memory_space<vmem>>, %arg4: memref<10000x128xf32, #tpu.memory_space<vmem>>, %arg5: memref<10240x128xf32, #tpu.memory_space<vmem>>) attributes {dimension_semantics = [], scalar_prefetch = 0 : i64, scratch_operands = 0 : i64, tpu.core_type = #tpu.core_type<tc>} {
    %get3A = arith.constant 0 : index
    %get3A_0 = arith.constant 0 : index
    %get3A_1 = vector.load %arg1[%get3A, %get3A_0] : memref<10000x1xf32, #tpu.memory_space<vmem>>, vector<10000x1xf32>
    %get3A_2 = arith.constant 0 : index
    %get3A_3 = arith.constant 0 : index
    %get3A_4 = arith.constant 0 : index
    %get3A_5 = vector.load %arg0[%get3A_2, %get3A_3, %get3A_4] : memref<2x10240x128xf32, #tpu.memory_space<vmem>>, vector<1x10000x128xf32>
    %get3A_6 = vector.shape_cast %get3A_5 : vector<1x10000x128xf32> to vector<10000x128xf32>
    %get3A_7 = arith.constant 1 : index
    %get3A_8 = arith.constant 0 : index
    %get3A_9 = arith.constant 0 : index
    %get3A_10 = vector.load %arg0[%get3A_7, %get3A_8, %get3A_9] : memref<2x10240x128xf32, #tpu.memory_space<vmem>>, vector<1x10000x128xf32>
    %get3A_11 = vector.shape_cast %get3A_10 : vector<1x10000x128xf32> to vector<10000x128xf32>
    %add3A = arith.addf %get3A_6, %get3A_11 : vector<10000x128xf32>
    %mul3A = vector.broadcast %get3A_1 : vector<10000x1xf32> to vector<10000x128xf32>
    %mul3A_12 = arith.mulf %add3A, %mul3A : vector<10000x128xf32>
    %get3A_13 = arith.constant 0 : index
    %get3A_14 = arith.constant 0 : index
    %get3A_15 = vector.load %arg2[%get3A_13, %get3A_14] : memref<1x128xf32, #tpu.memory_space<vmem>>, vector<1x128xf32>
    %add3A_16 = vector.broadcast %get3A_15 : vector<1x128xf32> to vector<10000x128xf32>
    %add3A_17 = arith.addf %mul3A_12, %add3A_16 : vector<10000x128xf32>
    %max3A = arith.constant 0.000000e+00 : f32
    %max3A_18 = vector.broadcast %max3A : f32 to vector<10000x128xf32>
    %max3A_19 = arith.maximumf %add3A_17, %max3A_18 : vector<10000x128xf32>
    %swap3A = arith.constant 0 : index
    %swap3A_20 = arith.constant 0 : index
    %swap3A_21 = vector.load %arg4[%swap3A, %swap3A_20] : memref<10000x128xf32, #tpu.memory_space<vmem>>, vector<10000x128xf32>
    tpu.vector_store %arg4[%swap3A, %swap3A_20], %max3A_19 {strides = array<i32>} : memref<10000x128xf32, #tpu.memory_space<vmem>>, vector<10000x128xf32>,
    %get3A_22 = arith.constant 0 : index
    %get3A_23 = arith.constant 0 : index
    %get3A_24 = vector.load %arg3[%get3A_22, %get3A_23] : memref<128x128xf32, #tpu.memory_space<vmem>>, vector<128x128xf32>
    %dot_general3A = arith.constant dense<0.000000e+00> : vector<10000x128xf32>
    %dot_general3A_25 = tpu.matmul %max3A_19, %get3A_24, %dot_general3A {dimension_numbers = #tpu.dot_dimension_numbers<[1], [0], [0], [1], [0, 0, 1, 1], [], []>, transpose_lhs_hint = false} : vector<10000x128xf32>, vector<128x128xf32>, vector<10000x128xf32> -> vector<10000x128xf32>
    %mul3A_26 = vector.broadcast %get3A_1 : vector<10000x1xf32> to vector<10000x128xf32>
    %mul3A_27 = arith.mulf %dot_general3A_25, %mul3A_26 : vector<10000x128xf32>
    %swap3A_28 = arith.constant 0 : index
    %swap3A_29 = arith.constant 0 : index
    %swap3A_30 = vector.load %arg5[%swap3A_28, %swap3A_29] : memref<10240x128xf32, #tpu.memory_space<vmem>>, vector<10000x128xf32>
    tpu.vector_store %arg5[%swap3A_28, %swap3A_29], %mul3A_27 {strides = array<i32>} : memref<10240x128xf32, #tpu.memory_space<vmem>>, vector<10000x128xf32>,
    %broadcast_in_dim3A = arith.constant 0.000000e+00 : f32
    %broadcast_in_dim3A_31 = vector.broadcast %broadcast_in_dim3A : f32 to vector<240x128xf32>
    %swap3A_32 = arith.constant 10000 : index
    %swap3A_33 = arith.constant 0 : index
    %swap3A_34 = vector.load %arg5[%swap3A_32, %swap3A_33] : memref<10240x128xf32, #tpu.memory_space<vmem>>, vector<240x128xf32>
    tpu.vector_store %arg5[%swap3A_32, %swap3A_33], %broadcast_in_dim3A_31 {strides = array<i32>} : memref<10240x128xf32, #tpu.memory_space<vmem>>, vector<240x128xf32>,
    return
  }
}

module attributes {stable_mosaic.version = 14 : i64} {
  func.func @_tc3_body(%arg0: memref<2x10240x128xf32, #tpu.memory_space<vmem>>, %arg1: memref<10000x1xf32, #tpu.memory_space<vmem>>, %arg2: memref<1x128xf32, #tpu.memory_space<vmem>>, %arg3: memref<10000x128xf32, #tpu.memory_space<vmem>>) attributes {dimension_semantics = [], scalar_prefetch = 0 : i64, scratch_operands = 0 : i64, tpu.core_type = #tpu.core_type<tc>} {
    %get3A = arith.constant 0 : index
    %get3A_0 = arith.constant 0 : index
    %get3A_1 = arith.constant 0 : index
    %get3A_2 = vector.load %arg0[%get3A, %get3A_0, %get3A_1] : memref<2x10240x128xf32, #tpu.memory_space<vmem>>, vector<1x10000x128xf32>
    %get3A_3 = vector.shape_cast %get3A_2 : vector<1x10000x128xf32> to vector<10000x128xf32>
    %get3A_4 = arith.constant 1 : index
    %get3A_5 = arith.constant 0 : index
    %get3A_6 = arith.constant 0 : index
    %get3A_7 = vector.load %arg0[%get3A_4, %get3A_5, %get3A_6] : memref<2x10240x128xf32, #tpu.memory_space<vmem>>, vector<1x10000x128xf32>
    %get3A_8 = vector.shape_cast %get3A_7 : vector<1x10000x128xf32> to vector<10000x128xf32>
    %add3A = arith.addf %get3A_3, %get3A_8 : vector<10000x128xf32>
    %get3A_9 = arith.constant 0 : index
    %get3A_10 = arith.constant 0 : index
    %get3A_11 = vector.load %arg1[%get3A_9, %get3A_10] : memref<10000x1xf32, #tpu.memory_space<vmem>>, vector<10000x1xf32>
    %mul3A = vector.broadcast %get3A_11 : vector<10000x1xf32> to vector<10000x128xf32>
    %mul3A_12 = arith.mulf %add3A, %mul3A : vector<10000x128xf32>
    %get3A_13 = arith.constant 0 : index
    %get3A_14 = arith.constant 0 : index
    %get3A_15 = vector.load %arg2[%get3A_13, %get3A_14] : memref<1x128xf32, #tpu.memory_space<vmem>>, vector<1x128xf32>
    %add3A_16 = vector.broadcast %get3A_15 : vector<1x128xf32> to vector<10000x128xf32>
    %add3A_17 = arith.addf %mul3A_12, %add3A_16 : vector<10000x128xf32>
    %swap3A = arith.constant 0 : index
    %swap3A_18 = arith.constant 0 : index
    %swap3A_19 = vector.load %arg3[%swap3A, %swap3A_18] : memref<10000x128xf32, #tpu.memory_space<vmem>>, vector<10000x128xf32>
    tpu.vector_store %arg3[%swap3A, %swap3A_18], %add3A_17 {strides = array<i32>} : memref<10000x128xf32, #tpu.memory_space<vmem>>, vector<10000x128xf32>,
    return
  }
}

</mosaic_0001>

<sc_bundles>
// kernel: kernel.12.cloned.1.call-start
scs
__scs_entry_jumppad:
0x0: {  	(pc) =	sbr.rel $0x88, $3  }
0x1: {  	(tag) =	ssettag $0x0;
	lr =	simm.s32 $0x1  }
0x2: {  	[smem:$0x3F9B] =	sst lr;
	_ =	strace $0xD0000000  }
0x3: {  	_ = 	snop  }
0x4: {  	_ = 	snop  }
0x5: {  	_ = 	snop  }
0x6: {  	_ = 	snop  }
0x7: {  	_ = 	snop  }
__scs_overlays_trampoline_lowered:
0x8: {  	[smem:$0x3FAA] =	sst s0  }
0x9: {  	[smem:$0x3FAB] =	sst s1  }
0xa: {  	[smem:$0x3FAC] =	sst s2  }
0xb: {  	[smem:$0x3FAD] =	sst s3  }
0xc: {  	[smem:$0x3FAE] =	sst s4  }
0xd: {  	[smem:$0x3FAF] =	sst s5  }
0xe: {  	[smem:$0x3FB0] =	sst s6  }
0xf: {  	[smem:$0x3FB1] =	sst s7  }
0x10: {  	[smem:$0x3FB2] =	sst s8  }
0x11: {  	[smem:$0x3FB3] =	sst s9;
	s0 =	simm.s32 @!p0 $0x0  }
0x12: {  	s1 =	sld [smem:$0x3F99];
	s0 =	simm.s32 @p0 $0x1  }
0x13: {  	[smem:$0x3FB4] =	sst s0;
	s0 =	simm.s32 @!p1 $0x0  }
0x14: {  	s2 =	sld [smem:$0x3F98];
	s0 =	simm.s32 @p1 $0x1  }
0x15: {  	[smem:$0x3FB5] =	sst s0;
	s0 =	simm.s32 @!p2 $0x0  }
0x16: {  	s3 =	sld [smem:$0x3FDB];
	s0 =	simm.s32 @p2 $0x1  }
0x17: {  	s4 =	simm.s32 $0x1BF5;
	[smem:$0x3FB7] =	sst s0  }
0x18: {  	s0 =	sld [smem:$0x3F9A];
	_ =	swait.ge [sflag:s4], $0x0  }
0x19: {  	s7 =	sld [smem:$0x3F9B]  }
0x1a: {  	s8 =	sadd.s32 $0xFFFFE003, lr  }
0x1b: {  	s9 =	sadd.s32 $0xFFFFFEF7, lr;
	s5 =	simm.s32 $0xFFFFFFFF;
	p2 =	slt.u32 s8, $0xFFFFF086  }
0x1c: {  	p1 =	slt.u32 s9, $0xF7A;
	s5 =	simm.s32 @!p2 $0x0  }
0x1d: {  	s5 =	simm.s32 @p1 $0x1;
	p0 =	seq.s32 s7, s2  }
0x1e: {  	s7 =	smul.u32 @!p0 $0xF7A, s2;
	p2 =	seq.s32 @!p0 s5, $0x0  }
0x1f: {  	s9 =	smul.u32 $0xF7A, s1;
	s8 =	simm.s32 @!p0 $0x1BF5;
	p2 =	por !p2, p0  }
0x20: {  	[sflag:s8] =	ssyncset.s32 @!p0 $0xFFFFF086;
	s6 =	sadd.s32 @!p0 s3, s7;
	s7 =	simm.s32 @!p0 $0x108  }
0x21: {  	s3 =	sadd.s32 s3, s9;
	s6 =	sadd.s32 @!p0 $0x88, s6;
	s7 =	simm.s32 @p2 $0x1082  }
0x22: {  	[simem:s7], [sflag:s8] =	dma.local @!p0 [hbm:s6], $0xF7A  }
0x23: {  	s9 =	sor.u32 $0xD0000000, s2;
	s6 =	simm.s32 $0x108;
	_ =	swait.ge @!p0 [sflag:s8], $0x0  }
0x24: {  	s3 =	sadd.s32 $0x88, s3;
	s6 =	simm.s32 @!p1 $0x1082;
	[sflag:s4] =	ssyncset.s32 $0xFFFFF086  }
0x25: {  	[simem:s6], [sflag:s4] =	dma.local [hbm:s3], $0xF7A  }
0x26: {  	[smem:$0x3F9B] =	sst s1;
	(tag) =	ssettag s2;
	_ =	strace s9  }
0x27: {  	s1 =	sld [smem:$0x3FAB]  }
0x28: {  	s2 =	sld [smem:$0x3FAC]  }
0x29: {  	s4 =	sld [smem:$0x3FAE]  }
0x2a: {  	p0 =	seq.s32 s5, $0x0;
	s5 =	sld [smem:$0x3FAF]  }
0x2b: {  	s6 =	sld [smem:$0x3FB0]  }
0x2c: {  	s7 =	sld [smem:$0x3FB1]  }
0x2d: {  	s3 =	simm.s32 $0x108;
	s8 =	sld [smem:$0x3FB2]  }
0x2e: {  	s3 =	simm.s32 @!p0 $0x1082;
	s9 =	sld [smem:$0x3FB3]  }
0x2f: {  	lr =	sadd.s32 s0, s3;
	s0 =	sld [smem:$0x3FAA]  }
0x30: {  	s3 =	sld [smem:$0x3FAD]  }
0x31: {  	[smem:$0x3FB6] =	sst s10  }
0x32: {  	s10 =	sld [smem:$0x3FB4];
	_ =	sdelay $0x3  }
0x33: {  	p0 =	seq.s32 s10, $0x1;
	s10 =	sld [smem:$0x3FB6];
	_ =	sdelay $0x3  }
0x34: {  	[smem:$0x3FB6] =	sst s10  }
0x35: {  	s10 =	sld [smem:$0x3FB5];
	_ =	sdelay $0x3  }
0x36: {  	p1 =	seq.s32 s10, $0x1;
	s10 =	sld [smem:$0x3FB6];
	_ =	sdelay $0x3  }
0x37: {  	[smem:$0x3FB6] =	sst s10  }
0x38: {  	s10 =	sld [smem:$0x3FB7]  }
0x39: {  	_ = 	snop;
	(pc) =	sbr.ind lr, $3  }
0x3a: {  	_ = 	snop  }
0x3b: {  	_ = 	snop  }
0x3c: {  	p2 =	seq.s32 s10, $0x1;
	s10 =	sld [smem:$0x3FB6]  }
0x3d: {  	_ =	shalt  }
0x3e: {  	_ =	shalt  }
0x3f: {  	_ =	shalt  }
0x40: {  	_ =	shalt  }
0x41: {  	_ =	shalt  }
0x42: {  	_ =	shalt  }
0x43: {  	_ =	shalt  }
0x44: {  	_ =	shalt  }
0x45: {  	_ =	shalt  }
0x46: {  	_ =	shalt  }
0x47: {  	_ =	shalt  }
0x48: {  	_ =	shalt  }
0x49: {  	_ =	shalt  }
0x4a: {  	_ =	shalt  }
0x4b: {  	_ =	shalt  }
0x4c: {  	_ =	shalt  }
0x4d: {  	_ =	shalt  }
0x4e: {  	_ =	shalt  }
0x4f: {  	_ =	shalt  }
0x50: {  	_ =	shalt  }
0x51: {  	_ =	shalt  }
0x52: {  	_ =	shalt  }
0x53: {  	_ =	shalt  }
0x54: {  	_ =	shalt  }
0x55: {  	_ =	shalt  }
0x56: {  	_ =	shalt  }
0x57: {  	_ =	shalt  }
0x58: {  	_ =	shalt  }
0x59: {  	_ =	shalt  }
0x5a: {  	_ =	shalt  }
0x5b: {  	_ =	shalt  }
0x5c: {  	_ =	shalt  }
0x5d: {  	_ =	shalt  }
0x5e: {  	_ =	shalt  }
0x5f: {  	_ =	shalt  }
0x60: {  	_ =	shalt  }
0x61: {  	_ =	shalt  }
0x62: {  	_ =	shalt  }
0x63: {  	_ =	shalt  }
0x64: {  	_ =	shalt  }
0x65: {  	_ =	shalt  }
0x66: {  	_ =	shalt  }
0x67: {  	_ =	shalt  }
0x68: {  	_ =	shalt  }
0x69: {  	_ =	shalt  }
0x6a: {  	_ =	shalt  }
0x6b: {  	_ =	shalt  }
0x6c: {  	_ =	shalt  }
0x6d: {  	_ =	shalt  }
0x6e: {  	_ =	shalt  }
0x6f: {  	_ =	shalt  }
0x70: {  	_ =	shalt  }
0x71: {  	_ =	shalt  }
0x72: {  	_ =	shalt  }
0x73: {  	_ =	shalt  }
0x74: {  	_ =	shalt  }
0x75: {  	_ =	shalt  }
0x76: {  	_ =	shalt  }
0x77: {  	_ =	shalt  }
0x78: {  	_ =	shalt  }
0x79: {  	_ =	shalt  }
0x7a: {  	_ =	shalt  }
0x7b: {  	_ =	shalt  }
0x7c: {  	_ =	shalt  }
0x7d: {  	_ =	shalt  }
0x7e: {  	_ =	shalt  }
0x7f: {  	_ =	shalt  }
0x80: {  	_ =	shalt  }
0x81: {  	_ =	shalt  }
0x82: {  	_ =	shalt  }
0x83: {  	_ =	shalt  }
0x84: {  	_ =	shalt  }
0x85: {  	_ =	shalt  }
0x86: {  	_ =	shalt  }
0x87: {  	_ =	shalt  }
.Lfunc_end0:
.L_simem_size_0:
called_computation.1_lowered:
.L_overlay_start_0:
0x88: {  	s2 =	sld [smem:$0x3FD9]  }
0x89: {  	s3 =	sld [smem:$0x3FFE];
	_ =	sdelay $0x1  }
0x8a: {  	s1 =	srdreg.scid  }
0x8b: {  	s0 =	sand.u32 $0x1, s1  }
0x8c: {  	s14 =	sshll.u32 s0, $0xA;
	s2 =	sadd.s32 s3, s2  }
0x8d: {  	s2 =	sadd.s32 s2, s14  }
0x8e: {  	[smem:$0x3FC2] =	sst s2  }
0x8f: {  	_ = 	snop  }
0x90: {  	s2 =	sld [smem:$0x3FD0];
	_ =	sdelay $0x2  }
0x91: {  	s15 =	simm.s32 $0xA;
	s4 =	simm.s32 $0x10  }
0x92: {  	[smem:s4], [sflag:s15] =	dma.local [hbm:s2], $0x1  }
0x93: {  	_ =	swait.eq [sflag:s15], $0x1  }
0x94: {  	[sflag:s15] =	ssyncset.done $0x0  }
0x95: {  	[sflag:s15] =	ssyncadd.s32 $0xFFFFFFFF  }
0x96: {  	s16 =	sld [smem:$0x10];
	(tm) =	ssettm $0x1  }
0x97: {  	s17 =	sld [smem:$0x3FFB];
	_ =	sdelay $0x3  }
0x98: {  	_ =	strace s17  }
0x99: {  	s3 =	sld [smem:$0x3FFC];
	_ =	sdelay $0x3  }
0x9a: {  	_ =	strace s3  }
0x9b: {  	s3 =	sld [smem:$0x3FFD];
	_ =	sdelay $0x3  }
0x9c: {  	_ =	strace s3  }
0x9d: {  	_ =	strace $0x8FFFFFFF  }
0x9e: {  	s18 =	sld [smem:$0x3FDB];
	_ =	sdelay $0x1  }
0x9f: {  	s19 =	simm.s32 $_scs_section_size  }
0xa0: {  	s5 =	simm.s32 $_size__tile_overlayer_lowered;
	s6 =	simm.s32 $_tile_overlayer_lowered  }
0xa1: {  	s22 =	simm.s32 $0x1BFF;
	s21 =	sshll.u32 s6, $0x1;
	s3 =	sadd.s32 s19, s18  }
0xa2: {  	s7 =	simm.s32 $0x0;
	s20 =	sshll.u32 s5, $0x1;
	s5 =	sadd.s32 s21, s3  }
0xa3: {  	[timem:s7], [sflag:s22] =	dma.local [hbm:s5], s20  }
0xa4: {  	_ =	swait.ge [sflag:s22], s20  }
0xa5: {  	s4 =	ssub.s32 $0x0, s20;
	[sflag:s22] =	ssyncset.done $0x0  }
0xa6: {  	[sflag:s22] =	ssyncadd.s32 s4;
	_ =	sdelay $0x1  }
0xa7: {  	s23 =	simm.s32 $0x1B8B  }
0xa8: {  	_ =	swait.ge [sflag:s23], $0x1  }
0xa9: {  	[sflag:s23] =	ssyncset.done $0x0  }
0xaa: {  	s25 =	simm.s32 $0x1B8E;
	s24 =	sld [smem:$0x3FFE];
	[sflag:s23] =	ssyncadd.s32 $0xFFFFFFFF  }
0xab: {  	s26 =	simm.s32 $execute0_lowered;
	[smem:$0x3FD2] =	sst s25  }
0xac: {  	s5 =	sshll.u32 s26, $0x1;
	_ =	strace $0x80000049;
	[dreg:$0x1] =	wrdreg $0xFFFFFFFF  }
0xad: {  	s28 =	simm.s32 $_size_execute0_lowered;
	s3 =	sadd.s32 s3, s5;
	[dreg:$0x0] =	wrdreg $0x0  }
0xae: {  	s5 =	sshll.u32 s28, $0x1;
	[dreg:$0x2] =	wrdreg s3  }
0xaf: {  	[dreg:$0x3] =	wrdreg s5  }
0xb0: {  	[dreg:$0x4] =	wrdreg $0xC0  }
0xb1: {  	_ =	task [dreg:s7], $0x5FFFF  }
0xb2: {  	[dreg:$0x1] =	wrdreg $0xFFFFFFFF  }
0xb3: {  	[dreg:$0x0] =	wrdreg $0x60  }
0xb4: {  	[dreg:$0x2] =	wrdreg s24  }
0xb5: {  	[dreg:$0x3] =	wrdreg s16  }
0xb6: {  	[dreg:$0x4] =	wrdreg $0xB3000  }
0xb7: {  	[dreg:$0x5] =	wrdreg $0x9  }
0xb8: {  	_ =	task.clear_ibuf [dreg:s7], $0x6FFFF;
	_ =	strace $0x90000049  }
0xb9: {  	s29 =	simm.s32 $0x9;
	_ =	strace $0x8000004B  }
0xba: {  	_ =	swait.ge [sflag:s29], $0x1  }
0xbb: {  	[sflag:s29] =	ssyncadd.s32 $0xFFFFFFFF  }
0xbc: {  	_ =	strace $0x9000004B  }
0xbd: {  	_ =	sfence  }
0xbe: {  	s30 =	sld [smem:$0x0];
	_ =	sdelay $0x2  }
0xbf: {  	s31 =	sshll.u32 s1, $0xD;
	s1 =	sshrl.u32 s1, $0x2  }
0xc0: {  	s3 =	sand.u32 $0x4000, s31;
	s1 =	sadd.s32 s1, s30  }
0xc1: {  	s0 =	sor.u32 s3, s0;
	s1 =	sshll.u32 s1, $0x11  }
0xc2: {  	s0 =	sor.u32 s1, s0  }
0xc3: {  	s0 =	sadd.s32 $0x8F2B, s0  }
0xc4: {  	[sflag:s0] =	ssyncadd.remote.s32 $0x1  }
0xc5: {  	_ =	sfence.sel $0xFFFF  }
0xc6: {  	[dreg:$0x0] =	wrdreg $0xFFFFFFFF;
	(pc) =	sbr.abs _section_cstart, $3  }
0xc7: {  	[dreg:$0x1] =	wrdreg $0xFFFFFFFF  }
0xc8: {  	_ =	task.clear_ibuf [dreg:s7], $0x2FFFF;
	_ =	strace $0x9FFFFFFF  }
0xc9: {  	(tm) =	ssettm $0x7FFFFFFF  }
tec
execute0_lowered:
.L_overlay_start_1:
0x0: {  	(tag) =	ssettag $0x1  }
0x1: {  	s0 =	rddreg [dreg:$0x0]  }
0x2: {  	s2 =	rddreg [dreg:$0x1]  }
0x3: {  	s1 =	rddreg [dreg:$0x2];
	s3 =	simm.s32 $0x0;
	s4 =	srdreg.scid  }
0x4: {  	s13 =	stileid.u32;
	s14 =	simm.s32 $0x28;
	s15 =	simm.s32 $0x4F00  }
0x5: {  	s16 =	simm.s32 $0x6300;
	s18 =	simm.s32 $0x7700;
	s20 =	simm.s32 $0x8B00  }
0x6: {  	s22 =	simm.s32 $0x9F00;
	s23 =	simm.s32 $0x1;
	s28 =	simm.s32 $0x3  }
0x7: {  	s29 =	simm.s32 $0x8;
	s30 =	simm.s32 $0x4;
	s31 =	simm.s32 $0x9  }
0x8: {  	s17 =	simm.s32 $0x0;
	[smem:$0x7FF] =	sst s3;
	s5 =	sand.u32 $0x1, s4  }
0x9: {  	s6 =	smul.u32 $0x2800, s13;
	s4 =	sadd.s32 $0x2800, s0;
	s10 =	sadd.s32 $0x2A800, s0  }
0xa: {  	s12 =	smul.u32 $0x50000, s13;
	s26 =	sshll.u32 s13, $0x6;
	_ =	strace $0x8000004A  }
0xb: {  	s7 =	sshll.u32 s5, $0x4;
	s8 =	smul.u32 $0x28000, s5;
	s9 =	ssub.s32 $0x2, s5  }
0xc: {  	p0 =	seq.s32 s5, $0x1;
	s7 =	sor.u32 s13, s7;
	s11 =	sshrl.u32 s9, $0x1  }
0xd: {  	s24 =	sshrl.u32 s12, $0x2;
	s12 =	simm.s32 $0xB;
	s7 =	smul.u32 $0x2710, s7  }
0xe: {  	s8 =	sadd.s32 s6, s8;
	s9 =	ssub.s32 s9, s11;
	s25 =	sadd.s32 s24, s1  }
0xf: {  	s6 =	sadd.s32 s4, s6;
	s24 =	simm.s32 $0x6;
	s0 =	sadd.s32 s8, s0  }
0x10: {  	s9 =	smax.u32 s9, $0x1;
	s6 =	smov.u32 @p0 s10;
	s10 =	sor.u32 $0x1C0B, s26  }
0x11: {  	s11 =	sshrl.u32 s25, $0x3;
	s25 =	simm.s32 $0x2;
	s7 =	sshrl.u32 s7, $0x3  }
0x12: {  	s26 =	simm.s32 $0x7;
	s8 =	sadd.s32 $0x2D000, s0;
	s5 =	sadd.s32 s2, s7  }
0x13: {  	s0 =	simm.s32 $0x5;
	s2 =	simm.s32 $0xA;
	s7 =	sadd.s32 $0x9C40, s5  }
.LBB2_1:
0x14: {  	[spmem:s11], [sflag:s10] =	dma.local [hbm:s6], $0x2800  }
0x15: {  	_ =	swait.ge [sflag:s12], $0x2800  }
0x16: {  	[sflag:s12] =	ssyncset.done $0x0  }
0x17: {  	[sflag:s12] =	ssyncadd.s32 $0xFFFFD800  }
0x18: {  	[tilespmem:s3], [sflag:$0xB] =	stream.linear.gather [hbm4b:s5+s3], $0x2710, $0x38;
	[tilespmem:$0x1F300] =	vst v63  }
0x19: {  	_ =	swait.ge [sflag:s12], $0x2710  }
0x1a: {  	[sflag:s12] =	ssyncset.done $0x0  }
0x1b: {  	s13 =	simm.s32 $0x2780;
	[sflag:s12] =	ssyncadd.s32 $0xFFFFD8F0  }
0x1c: {  	[tilespmem:s13], [sflag:$0xB] =	stream.linear.gather [hbm4b:s7+s3], $0x2710, $0x38;
	[tilespmem:$0x1F300] =	vst v63  }
0x1d: {  	_ =	swait.ge [sflag:s12], $0x2710  }
0x1e: {  	[sflag:s12] =	ssyncset.done $0x0  }
0x1f: {  	[sflag:s12] =	ssyncadd.s32 $0xFFFFD8F0  }
0x20: {  	[tilespmem:s15], [sflag:$0x1] =	stream.indirect.gather [hbm4b:s4+s14], $0x80, s3, s14, $0xb8;
	[tilespmem:$0x1F300] =	vst v63  }
0x21: {  	_ = 	snop  }
0x22: {  	[tilespmem:s16], [sflag:$0x2] =	stream.indirect.gather [hbm4b:s4+s14], $0x80, s14, s14, $0xb8;
	[tilespmem:$0x1F300] =	vst v63  }
0x23: {  	s21 =	simm.s32 $0x50  }
0x24: {  	[tilespmem:s18], [sflag:$0x3] =	stream.indirect.gather [hbm4b:s4+s14], $0x80, s21, s14, $0xb8;
	[tilespmem:$0x1F300] =	vst v63  }
0x25: {  	s19 =	simm.s32 $0x78  }
0x26: {  	[tilespmem:s20], [sflag:$0x4] =	stream.indirect.gather [hbm4b:s4+s14], $0x80, s19, s14, $0xb8;
	[tilespmem:$0x1F300] =	vst v63  }
0x27: {  	s21 =	simm.s32 $0xA0  }
0x28: {  	[tilespmem:s22], [sflag:$0x5] =	stream.indirect.gather [hbm4b:s4+s14], $0x80, s21, s14, $0xb8;
	[tilespmem:$0x1F300] =	vst v63  }
0x29: {  	[bflag:$0x0] =	sbarrier.arrive $0xFFFF  }
0x2a: {  	_ =	swait.ge [sflag:s23], $0x1400  }
0x2b: {  	[sflag:s23] =	ssyncset.done $0x0  }
0x2c: {  	s19 =	simm.s32 $0x2780;
	[sflag:s23] =	ssyncadd.s32 $0xFFFFEC00  }
0x2d: {  	[spmem:s1] =	stream.indirect.scatter.add.f32 [tilespmem:s15], [sflag:$0x6], $0x80, s19, s14, $0xb8;
	[tilespmem:$0x1F300] =	vst v63  }
0x2e: {  	_ =	swait.ge [sflag:s24], $0x1400  }
0x2f: {  	[sflag:s24] =	ssyncset.done $0x0  }
0x30: {  	s13 =	simm.s32 $0xC8;
	[sflag:s24] =	ssyncadd.s32 $0xFFFFEC00  }
0x31: {  	[tilespmem:s15], [sflag:$0x1] =	stream.indirect.gather [hbm4b:s4+s14], $0x80, s13, s14, $0xb8;
	[tilespmem:$0x1F300] =	vst v63  }
0x32: {  	_ =	swait.ge [sflag:s25], $0x1400  }
0x33: {  	[sflag:s25] =	ssyncset.done $0x0  }
0x34: {  	s21 =	simm.s32 $0x27A8;
	[sflag:s25] =	ssyncadd.s32 $0xFFFFEC00  }
0x35: {  	[spmem:s1] =	stream.indirect.scatter.add.f32 [tilespmem:s16], [sflag:$0x7], $0x80, s21, s14, $0xb8;
	[tilespmem:$0x1F300] =	vst v63  }
0x36: {  	_ =	swait.ge [sflag:s26], $0x1400  }
0x37: {  	[sflag:s26] =	ssyncset.done $0x0  }
0x38: {  	s13 =	simm.s32 $0xF0;
	[sflag:s26] =	ssyncadd.s32 $0xFFFFEC00  }
0x39: {  	[tilespmem:s16], [sflag:$0x2] =	stream.indirect.gather [hbm4b:s4+s14], $0x80, s13, s14, $0xb8;
	[tilespmem:$0x1F300] =	vst v63  }
0x3a: {  	_ =	swait.ge [sflag:s28], $0x1400  }
0x3b: {  	[sflag:s28] =	ssyncset.done $0x0  }
0x3c: {  	s21 =	simm.s32 $0x27D0;
	[sflag:s28] =	ssyncadd.s32 $0xFFFFEC00  }
0x3d: {  	[spmem:s1] =	stream.indirect.scatter.add.f32 [tilespmem:s18], [sflag:$0x8], $0x80, s21, s14, $0xb8;
	[tilespmem:$0x1F300] =	vst v63  }
0x3e: {  	_ =	swait.ge [sflag:s29], $0x1400  }
0x3f: {  	[sflag:s29] =	ssyncset.done $0x0  }
0x40: {  	s13 =	simm.s32 $0x118;
	[sflag:s29] =	ssyncadd.s32 $0xFFFFEC00  }
0x41: {  	[tilespmem:s18], [sflag:$0x3] =	stream.indirect.gather [hbm4b:s4+s14], $0x80, s13, s14, $0xb8;
	[tilespmem:$0x1F300] =	vst v63  }
0x42: {  	_ =	swait.ge [sflag:s30], $0x1400  }
0x43: {  	[sflag:s30] =	ssyncset.done $0x0  }
0x44: {  	s21 =	simm.s32 $0x27F8;
	[sflag:s30] =	ssyncadd.s32 $0xFFFFEC00  }
0x45: {  	[spmem:s1] =	stream.indirect.scatter.add.f32 [tilespmem:s20], [sflag:$0x9], $0x80, s21, s14, $0xb8;
	[tilespmem:$0x1F300] =	vst v63  }
0x46: {  	_ =	swait.ge [sflag:s31], $0x1400  }
0x47: {  	[sflag:s31] =	ssyncset.done $0x0  }
0x48: {  	s13 =	simm.s32 $0x140;
	[sflag:s31] =	ssyncadd.s32 $0xFFFFEC00  }
0x49: {  	[tilespmem:s20], [sflag:$0x4] =	stream.indirect.gather [hbm4b:s4+s14], $0x80, s13, s14, $0xb8;
	[tilespmem:$0x1F300] =	vst v63  }
0x4a: {  	_ =	swait.ge [sflag:s0], $0x1400  }
0x4b: {  	[sflag:s0] =	ssyncset.done $0x0  }
0x4c: {  	s21 =	simm.s32 $0x2820;
	[sflag:s0] =	ssyncadd.s32 $0xFFFFEC00  }
0x4d: {  	[spmem:s1] =	stream.indirect.scatter.add.f32 [tilespmem:s22], [sflag:$0xA], $0x80, s21, s14, $0xb8;
	[tilespmem:$0x1F300] =	vst v63  }
0x4e: {  	_ =	swait.ge [sflag:s2], $0x1400  }
0x4f: {  	[sflag:s2] =	ssyncset.done $0x0  }
0x50: {  	s19 =	simm.s32 $0x320;
	s21 =	simm.s32 $0x168;
	[sflag:s2] =	ssyncadd.s32 $0xFFFFEC00  }
.LBB2_2:
0x51: {  	[tilespmem:s22], [sflag:$0x5] =	stream.indirect.gather [hbm4b:s4+s14], $0x80, s21, s14, $0xb8;
	[tilespmem:$0x1F300] =	vst v63  }
0x52: {  	s21 =	smov.u32 s19  }
0x53: {  	p0 =	sne.s32 s19, $0x9600;
	s19 =	sadd.s32 $0x320, s19;
	_ =	swait.ge [sflag:s23], $0x1400  }
0x54: {  	s21 =	sshra.s32 s21, $0x2;
	[sflag:s23] =	ssyncset.done $0x0  }
0x55: {  	s13 =	sadd.s32 $0x2780, s21;
	[sflag:s23] =	ssyncadd.s32 $0xFFFFEC00  }
0x56: {  	[spmem:s1] =	stream.indirect.scatter.add.f32 [tilespmem:s15], [sflag:$0x6], $0x80, s13, s14, $0xb8;
	[tilespmem:$0x1F300] =	vst v63  }
0x57: {  	_ =	swait.ge [sflag:s24], $0x1400  }
0x58: {  	[sflag:s24] =	ssyncset.done $0x0  }
0x59: {  	s13 =	sadd.s32 $0xC8, s21;
	[sflag:s24] =	ssyncadd.s32 $0xFFFFEC00  }
0x5a: {  	[tilespmem:s15], [sflag:$0x1] =	stream.indirect.gather [hbm4b:s4+s14], $0x80, s13, s14, $0xb8;
	[tilespmem:$0x1F300] =	vst v63  }
0x5b: {  	_ =	swait.ge [sflag:s25], $0x1400  }
0x5c: {  	[sflag:s25] =	ssyncset.done $0x0  }
0x5d: {  	s13 =	sadd.s32 $0x27A8, s21;
	[sflag:s25] =	ssyncadd.s32 $0xFFFFEC00  }
0x5e: {  	[spmem:s1] =	stream.indirect.scatter.add.f32 [tilespmem:s16], [sflag:$0x7], $0x80, s13, s14, $0xb8;
	[tilespmem:$0x1F300] =	vst v63  }
0x5f: {  	_ =	swait.ge [sflag:s26], $0x1400  }
0x60: {  	[sflag:s26] =	ssyncset.done $0x0  }
0x61: {  	s13 =	sadd.s32 $0xF0, s21;
	[sflag:s26] =	ssyncadd.s32 $0xFFFFEC00  }
0x62: {  	[tilespmem:s16], [sflag:$0x2] =	stream.indirect.gather [hbm4b:s4+s14], $0x80, s13, s14, $0xb8;
	[tilespmem:$0x1F300] =	vst v63  }
0x63: {  	_ =	swait.ge [sflag:s28], $0x1400  }
0x64: {  	[sflag:s28] =	ssyncset.done $0x0  }
0x65: {  	s13 =	sadd.s32 $0x27D0, s21;
	[sflag:s28] =	ssyncadd.s32 $0xFFFFEC00  }
0x66: {  	[spmem:s1] =	stream.indirect.scatter.add.f32 [tilespmem:s18], [sflag:$0x8], $0x80, s13, s14, $0xb8;
	[tilespmem:$0x1F300] =	vst v63  }
0x67: {  	_ =	swait.ge [sflag:s29], $0x1400  }
0x68: {  	[sflag:s29] =	ssyncset.done $0x0  }
0x69: {  	s13 =	sadd.s32 $0x118, s21;
	[sflag:s29] =	ssyncadd.s32 $0xFFFFEC00  }
0x6a: {  	[tilespmem:s18], [sflag:$0x3] =	stream.indirect.gather [hbm4b:s4+s14], $0x80, s13, s14, $0xb8;
	[tilespmem:$0x1F300] =	vst v63  }
0x6b: {  	_ =	swait.ge [sflag:s30], $0x1400  }
0x6c: {  	[sflag:s30] =	ssyncset.done $0x0  }
0x6d: {  	s13 =	sadd.s32 $0x27F8, s21;
	[sflag:s30] =	ssyncadd.s32 $0xFFFFEC00  }
0x6e: {  	[spmem:s1] =	stream.indirect.scatter.add.f32 [tilespmem:s20], [sflag:$0x9], $0x80, s13, s14, $0xb8;
	[tilespmem:$0x1F300] =	vst v63  }
0x6f: {  	_ =	swait.ge [sflag:s31], $0x1400  }
0x70: {  	[sflag:s31] =	ssyncset.done $0x0  }
0x71: {  	s13 =	sadd.s32 $0x140, s21;
	[sflag:s31] =	ssyncadd.s32 $0xFFFFEC00  }
0x72: {  	[tilespmem:s20], [sflag:$0x4] =	stream.indirect.gather [hbm4b:s4+s14], $0x80, s13, s14, $0xb8;
	[tilespmem:$0x1F300] =	vst v63  }
0x73: {  	_ =	swait.ge [sflag:s0], $0x1400  }
0x74: {  	[sflag:s0] =	ssyncset.done $0x0  }
.Ltmp0:
0x75: {  	s13 =	sadd.s32 $0x2820, s21;
	[sflag:s0] =	ssyncadd.s32 $0xFFFFEC00;
	(pc) =	sbr.rel @p0 .LBB2_2-.Ltmp0, $4  }
0x76: {  	[spmem:s1] =	stream.indirect.scatter.add.f32 [tilespmem:s22], [sflag:$0xA], $0x80, s13, s14, $0xb8;
	[tilespmem:$0x1F300] =	vst v63  }
0x77: {  	_ =	swait.ge [sflag:s2], $0x1400  }
0x78: {  	[sflag:s2] =	ssyncset.done $0x0  }
0x79: {  	s21 =	sadd.s32 $0x168, s21;
	[sflag:s2] =	ssyncadd.s32 $0xFFFFEC00  }
0x7a: {  	[tilespmem:s22], [sflag:$0x5] =	stream.indirect.gather [hbm4b:s4+s14], $0x80, s21, s14, $0xb8;
	[tilespmem:$0x1F300] =	vst v63  }
0x7b: {  	_ =	swait.ge [sflag:s23], $0x1400  }
0x7c: {  	[sflag:s23] =	ssyncset.done $0x0  }
0x7d: {  	s13 =	simm.s32 $0x4DC8;
	[sflag:s23] =	ssyncadd.s32 $0xFFFFEC00  }
0x7e: {  	[spmem:s1] =	stream.indirect.scatter.add.f32 [tilespmem:s15], [sflag:$0x6], $0x80, s13, s14, $0xb8;
	[tilespmem:$0x1F300] =	vst v63  }
0x7f: {  	_ =	swait.ge [sflag:s24], $0x1400  }
0x80: {  	[sflag:s24] =	ssyncset.done $0x0  }
0x81: {  	[sflag:s24] =	ssyncadd.s32 $0xFFFFEC00  }
0x82: {  	_ =	swait.ge [sflag:s25], $0x1400  }
0x83: {  	[sflag:s25] =	ssyncset.done $0x0  }
0x84: {  	s19 =	simm.s32 $0x4DF0;
	[sflag:s25] =	ssyncadd.s32 $0xFFFFEC00  }
0x85: {  	[spmem:s1] =	stream.indirect.scatter.add.f32 [tilespmem:s16], [sflag:$0x7], $0x80, s19, s14, $0xb8;
	[tilespmem:$0x1F300] =	vst v63  }
0x86: {  	_ =	swait.ge [sflag:s26], $0x1400  }
0x87: {  	[sflag:s26] =	ssyncset.done $0x0  }
0x88: {  	[sflag:s26] =	ssyncadd.s32 $0xFFFFEC00  }
0x89: {  	_ =	swait.ge [sflag:s28], $0x1400  }
0x8a: {  	[sflag:s28] =	ssyncset.done $0x0  }
0x8b: {  	s21 =	simm.s32 $0x4E18;
	[sflag:s28] =	ssyncadd.s32 $0xFFFFEC00  }
0x8c: {  	[spmem:s1] =	stream.indirect.scatter.add.f32 [tilespmem:s18], [sflag:$0x8], $0x80, s21, s14, $0xb8;
	[tilespmem:$0x1F300] =	vst v63  }
0x8d: {  	_ =	swait.ge [sflag:s29], $0x1400  }
0x8e: {  	[sflag:s29] =	ssyncset.done $0x0  }
0x8f: {  	[sflag:s29] =	ssyncadd.s32 $0xFFFFEC00  }
0x90: {  	_ =	swait.ge [sflag:s30], $0x1400  }
0x91: {  	[sflag:s30] =	ssyncset.done $0x0  }
0x92: {  	s19 =	simm.s32 $0x4E40;
	[sflag:s30] =	ssyncadd.s32 $0xFFFFEC00  }
0x93: {  	[spmem:s1] =	stream.indirect.scatter.add.f32 [tilespmem:s20], [sflag:$0x9], $0x80, s19, s14, $0xb8;
	[tilespmem:$0x1F300] =	vst v63  }
0x94: {  	_ =	swait.ge [sflag:s31], $0x1400  }
0x95: {  	[sflag:s31] =	ssyncset.done $0x0  }
0x96: {  	[sflag:s31] =	ssyncadd.s32 $0xFFFFEC00  }
0x97: {  	_ =	swait.ge [sflag:s0], $0x1400  }
0x98: {  	[sflag:s0] =	ssyncset.done $0x0  }
0x99: {  	s21 =	simm.s32 $0x4E68;
	[sflag:s0] =	ssyncadd.s32 $0xFFFFEC00  }
0x9a: {  	[spmem:s1] =	stream.indirect.scatter.add.f32 [tilespmem:s22], [sflag:$0xA], $0x80, s21, s14, $0xb8;
	[tilespmem:$0x1F300] =	vst v63  }
0x9b: {  	_ =	swait.ge [sflag:s2], $0x1400  }
0x9c: {  	s17 =	sadd.s32 $0x1, s17;
	[sflag:s2] =	ssyncset.done $0x0  }
0x9d: {  	p0 =	sne.s32 s17, s9;
	[sflag:s2] =	ssyncadd.s32 $0xFFFFEC00  }
.Ltmp1:
0x9e: {  	[bflag:$0x0] =	sbarrier.arrive $0xFFFF;
	(pc) =	sbr.rel @p0 .LBB2_1-.Ltmp1, $4  }
0x9f: {  	[hbm:s8], [sflag:s10] =	dma.local [spmem:s11], $0x2800  }
0xa0: {  	_ =	swait.ge [sflag:s12], $0x2800  }
0xa1: {  	[sflag:s12] =	ssyncset.done $0x0  }
0xa2: {  	[sflag:s12] =	ssyncadd.s32 $0xFFFFD800  }
0xa3: {  	_ =	sfence.sel $0x180000  }
0xa4: {  	[bflag:$0x0] =	sbarrier.arrive $0xFFFF  }
0xa5: {  	_ =	strace $0x9000004A  }
0xa6: {  	s0 =	stileid.u32;
	[bflag:$0x2] =	sbarrier.arrive $0xFFFF  }
0xa7: {  	p0 =	sne.s32 s0, $0x0;
	s0 =	rddreg [dreg:$0x3]  }
0xa8: {  	s0 =	sadd.s32 @!p0 $0x100000, s0  }
0xa9: {  	[sflag:s0] =	ssyncadd.tile.s32 @!p0 $0x1;
	_ =	shalt  }
.Lfunc_end2:
_tile_overlayer_lowered:
.L_overlay_start_2:
0xaa: {  	(tag) =	ssettag $0x2  }
0xab: {  	s0 =	rddreg [dreg:$0x0];
	s2 =	stileid.u32  }
0xac: {  	s1 =	rddreg [dreg:$0x1];
	p0 =	sne.s32 s2, $0x0  }
0xad: {  	s3 =	rddreg [dreg:$0x2];
	[bflag:$0x3] =	sbarrier.arrive $0xFFFF;
	s2 =	simm.s32 @!p0 $0x1C0B  }
0xae: {  	[timem:s3], [sflag:s2] =	dma.local @!p0 [hbm:s0], s1  }
0xaf: {  	s0 =	simm.s32 @!p0 $0xB  }
0xb0: {  	_ =	swait.ge @!p0 [sflag:s0], s1  }
0xb1: {  	s1 =	ssub.s32 @!p0 $0x0, s1;
	[sflag:s0] =	ssyncset.done @!p0 $0x0  }
0xb2: {  	[sflag:s0] =	ssyncadd.s32 @!p0 s1  }
0xb3: {  	[bflag:$0x3] =	sbarrier.arrive $0xFFFF  }
0xb4: {  	_ =	shalt  }

// kernel: kernel.15.cloned.1.call-start
scs
__scs_entry_jumppad:
0x0: {  	(pc) =	sbr.rel $0x88, $3  }
0x1: {  	(tag) =	ssettag $0x0;
	lr =	simm.s32 $0x1  }
0x2: {  	[smem:$0x3F9B] =	sst lr;
	_ =	strace $0xD0000000  }
0x3: {  	_ = 	snop  }
0x4: {  	_ = 	snop  }
0x5: {  	_ = 	snop  }
0x6: {  	_ = 	snop  }
0x7: {  	_ = 	snop  }
__scs_overlays_trampoline_lowered:
0x8: {  	[smem:$0x3FAA] =	sst s0  }
0x9: {  	[smem:$0x3FAB] =	sst s1  }
0xa: {  	[smem:$0x3FAC] =	sst s2  }
0xb: {  	[smem:$0x3FAD] =	sst s3  }
0xc: {  	[smem:$0x3FAE] =	sst s4  }
0xd: {  	[smem:$0x3FAF] =	sst s5  }
0xe: {  	[smem:$0x3FB0] =	sst s6  }
0xf: {  	[smem:$0x3FB1] =	sst s7  }
0x10: {  	[smem:$0x3FB2] =	sst s8  }
0x11: {  	[smem:$0x3FB3] =	sst s9;
	s0 =	simm.s32 @!p0 $0x0  }
0x12: {  	s1 =	sld [smem:$0x3F99];
	s0 =	simm.s32 @p0 $0x1  }
0x13: {  	[smem:$0x3FB4] =	sst s0;
	s0 =	simm.s32 @!p1 $0x0  }
0x14: {  	s2 =	sld [smem:$0x3F98];
	s0 =	simm.s32 @p1 $0x1  }
0x15: {  	[smem:$0x3FB5] =	sst s0;
	s0 =	simm.s32 @!p2 $0x0  }
0x16: {  	s3 =	sld [smem:$0x3FDB];
	s0 =	simm.s32 @p2 $0x1  }
0x17: {  	s4 =	simm.s32 $0x1BF5;
	[smem:$0x3FB7] =	sst s0  }
0x18: {  	s0 =	sld [smem:$0x3F9A];
	_ =	swait.ge [sflag:s4], $0x0  }
0x19: {  	s7 =	sld [smem:$0x3F9B]  }
0x1a: {  	s8 =	sadd.s32 $0xFFFFE003, lr  }
0x1b: {  	s9 =	sadd.s32 $0xFFFFFEF7, lr;
	s5 =	simm.s32 $0xFFFFFFFF;
	p2 =	slt.u32 s8, $0xFFFFF086  }
0x1c: {  	p1 =	slt.u32 s9, $0xF7A;
	s5 =	simm.s32 @!p2 $0x0  }
0x1d: {  	s5 =	simm.s32 @p1 $0x1;
	p0 =	seq.s32 s7, s2  }
0x1e: {  	s7 =	smul.u32 @!p0 $0xF7A, s2;
	p2 =	seq.s32 @!p0 s5, $0x0  }
0x1f: {  	s9 =	smul.u32 $0xF7A, s1;
	s8 =	simm.s32 @!p0 $0x1BF5;
	p2 =	por !p2, p0  }
0x20: {  	[sflag:s8] =	ssyncset.s32 @!p0 $0xFFFFF086;
	s6 =	sadd.s32 @!p0 s3, s7;
	s7 =	simm.s32 @!p0 $0x108  }
0x21: {  	s3 =	sadd.s32 s3, s9;
	s6 =	sadd.s32 @!p0 $0x88, s6;
	s7 =	simm.s32 @p2 $0x1082  }
0x22: {  	[simem:s7], [sflag:s8] =	dma.local @!p0 [hbm:s6], $0xF7A  }
0x23: {  	s9 =	sor.u32 $0xD0000000, s2;
	s6 =	simm.s32 $0x108;
	_ =	swait.ge @!p0 [sflag:s8], $0x0  }
0x24: {  	s3 =	sadd.s32 $0x88, s3;
	s6 =	simm.s32 @!p1 $0x1082;
	[sflag:s4] =	ssyncset.s32 $0xFFFFF086  }
0x25: {  	[simem:s6], [sflag:s4] =	dma.local [hbm:s3], $0xF7A  }
0x26: {  	[smem:$0x3F9B] =	sst s1;
	(tag) =	ssettag s2;
	_ =	strace s9  }
0x27: {  	s1 =	sld [smem:$0x3FAB]  }
0x28: {  	s2 =	sld [smem:$0x3FAC]  }
0x29: {  	s4 =	sld [smem:$0x3FAE]  }
0x2a: {  	p0 =	seq.s32 s5, $0x0;
	s5 =	sld [smem:$0x3FAF]  }
0x2b: {  	s6 =	sld [smem:$0x3FB0]  }
0x2c: {  	s7 =	sld [smem:$0x3FB1]  }
0x2d: {  	s3 =	simm.s32 $0x108;
	s8 =	sld [smem:$0x3FB2]  }
0x2e: {  	s3 =	simm.s32 @!p0 $0x1082;
	s9 =	sld [smem:$0x3FB3]  }
0x2f: {  	lr =	sadd.s32 s0, s3;
	s0 =	sld [smem:$0x3FAA]  }
0x30: {  	s3 =	sld [smem:$0x3FAD]  }
0x31: {  	[smem:$0x3FB6] =	sst s10  }
0x32: {  	s10 =	sld [smem:$0x3FB4];
	_ =	sdelay $0x3  }
0x33: {  	p0 =	seq.s32 s10, $0x1;
	s10 =	sld [smem:$0x3FB6];
	_ =	sdelay $0x3  }
0x34: {  	[smem:$0x3FB6] =	sst s10  }
0x35: {  	s10 =	sld [smem:$0x3FB5];
	_ =	sdelay $0x3  }
0x36: {  	p1 =	seq.s32 s10, $0x1;
	s10 =	sld [smem:$0x3FB6];
	_ =	sdelay $0x3  }
0x37: {  	[smem:$0x3FB6] =	sst s10  }
0x38: {  	s10 =	sld [smem:$0x3FB7]  }
0x39: {  	_ = 	snop;
	(pc) =	sbr.ind lr, $3  }
0x3a: {  	_ = 	snop  }
0x3b: {  	_ = 	snop  }
0x3c: {  	p2 =	seq.s32 s10, $0x1;
	s10 =	sld [smem:$0x3FB6]  }
0x3d: {  	_ =	shalt  }
0x3e: {  	_ =	shalt  }
0x3f: {  	_ =	shalt  }
0x40: {  	_ =	shalt  }
0x41: {  	_ =	shalt  }
0x42: {  	_ =	shalt  }
0x43: {  	_ =	shalt  }
0x44: {  	_ =	shalt  }
0x45: {  	_ =	shalt  }
0x46: {  	_ =	shalt  }
0x47: {  	_ =	shalt  }
0x48: {  	_ =	shalt  }
0x49: {  	_ =	shalt  }
0x4a: {  	_ =	shalt  }
0x4b: {  	_ =	shalt  }
0x4c: {  	_ =	shalt  }
0x4d: {  	_ =	shalt  }
0x4e: {  	_ =	shalt  }
0x4f: {  	_ =	shalt  }
0x50: {  	_ =	shalt  }
0x51: {  	_ =	shalt  }
0x52: {  	_ =	shalt  }
0x53: {  	_ =	shalt  }
0x54: {  	_ =	shalt  }
0x55: {  	_ =	shalt  }
0x56: {  	_ =	shalt  }
0x57: {  	_ =	shalt  }
0x58: {  	_ =	shalt  }
0x59: {  	_ =	shalt  }
0x5a: {  	_ =	shalt  }
0x5b: {  	_ =	shalt  }
0x5c: {  	_ =	shalt  }
0x5d: {  	_ =	shalt  }
0x5e: {  	_ =	shalt  }
0x5f: {  	_ =	shalt  }
0x60: {  	_ =	shalt  }
0x61: {  	_ =	shalt  }
0x62: {  	_ =	shalt  }
0x63: {  	_ =	shalt  }
0x64: {  	_ =	shalt  }
0x65: {  	_ =	shalt  }
0x66: {  	_ =	shalt  }
0x67: {  	_ =	shalt  }
0x68: {  	_ =	shalt  }
0x69: {  	_ =	shalt  }
0x6a: {  	_ =	shalt  }
0x6b: {  	_ =	shalt  }
0x6c: {  	_ =	shalt  }
0x6d: {  	_ =	shalt  }
0x6e: {  	_ =	shalt  }
0x6f: {  	_ =	shalt  }
0x70: {  	_ =	shalt  }
0x71: {  	_ =	shalt  }
0x72: {  	_ =	shalt  }
0x73: {  	_ =	shalt  }
0x74: {  	_ =	shalt  }
0x75: {  	_ =	shalt  }
0x76: {  	_ =	shalt  }
0x77: {  	_ =	shalt  }
0x78: {  	_ =	shalt  }
0x79: {  	_ =	shalt  }
0x7a: {  	_ =	shalt  }
0x7b: {  	_ =	shalt  }
0x7c: {  	_ =	shalt  }
0x7d: {  	_ =	shalt  }
0x7e: {  	_ =	shalt  }
0x7f: {  	_ =	shalt  }
0x80: {  	_ =	shalt  }
0x81: {  	_ =	shalt  }
0x82: {  	_ =	shalt  }
0x83: {  	_ =	shalt  }
0x84: {  	_ =	shalt  }
0x85: {  	_ =	shalt  }
0x86: {  	_ =	shalt  }
0x87: {  	_ =	shalt  }
.Lfunc_end0:
.L_simem_size_0:
called_computation.2_lowered:
.L_overlay_start_0:
0x88: {  	s2 =	sld [smem:$0x3FD9]  }
0x89: {  	s3 =	sld [smem:$0x3FFE];
	_ =	sdelay $0x1  }
0x8a: {  	s1 =	srdreg.scid  }
0x8b: {  	s0 =	sand.u32 $0x1, s1  }
0x8c: {  	s14 =	sshll.u32 s0, $0xA;
	s2 =	sadd.s32 s3, s2  }
0x8d: {  	s2 =	sadd.s32 s2, s14  }
0x8e: {  	[smem:$0x3FC2] =	sst s2  }
0x8f: {  	_ = 	snop  }
0x90: {  	s2 =	sld [smem:$0x3FD0];
	_ =	sdelay $0x2  }
0x91: {  	s15 =	simm.s32 $0xA;
	s4 =	simm.s32 $0x10  }
0x92: {  	[smem:s4], [sflag:s15] =	dma.local [hbm:s2], $0x1  }
0x93: {  	_ =	swait.eq [sflag:s15], $0x1  }
0x94: {  	[sflag:s15] =	ssyncset.done $0x0  }
0x95: {  	[sflag:s15] =	ssyncadd.s32 $0xFFFFFFFF  }
0x96: {  	s16 =	sld [smem:$0x10];
	(tm) =	ssettm $0x1  }
0x97: {  	s17 =	sld [smem:$0x3FFB];
	_ =	sdelay $0x3  }
0x98: {  	_ =	strace s17  }
0x99: {  	s3 =	sld [smem:$0x3FFC];
	_ =	sdelay $0x3  }
0x9a: {  	_ =	strace s3  }
0x9b: {  	s3 =	sld [smem:$0x3FFD];
	_ =	sdelay $0x3  }
0x9c: {  	_ =	strace s3  }
0x9d: {  	_ =	strace $0x8FFFFFFF  }
0x9e: {  	s18 =	sld [smem:$0x3FDB];
	_ =	sdelay $0x1  }
0x9f: {  	s19 =	simm.s32 $_scs_section_size  }
0xa0: {  	s5 =	simm.s32 $_size__tile_overlayer_lowered;
	s6 =	simm.s32 $_tile_overlayer_lowered  }
0xa1: {  	s22 =	simm.s32 $0x1BFF;
	s21 =	sshll.u32 s6, $0x1;
	s3 =	sadd.s32 s19, s18  }
0xa2: {  	s7 =	simm.s32 $0x0;
	s20 =	sshll.u32 s5, $0x1;
	s5 =	sadd.s32 s21, s3  }
0xa3: {  	[timem:s7], [sflag:s22] =	dma.local [hbm:s5], s20  }
0xa4: {  	_ =	swait.ge [sflag:s22], s20  }
0xa5: {  	s4 =	ssub.s32 $0x0, s20;
	[sflag:s22] =	ssyncset.done $0x0  }
0xa6: {  	[sflag:s22] =	ssyncadd.s32 s4;
	_ =	sdelay $0x1  }
0xa7: {  	s23 =	simm.s32 $0x1B8B  }
0xa8: {  	_ =	swait.ge [sflag:s23], $0x1  }
0xa9: {  	[sflag:s23] =	ssyncset.done $0x0  }
0xaa: {  	s25 =	simm.s32 $0x1B8E;
	s24 =	sld [smem:$0x3FFE];
	[sflag:s23] =	ssyncadd.s32 $0xFFFFFFFF  }
0xab: {  	s26 =	simm.s32 $execute0_lowered;
	[smem:$0x3FD2] =	sst s25  }
0xac: {  	s5 =	sshll.u32 s26, $0x1;
	_ =	strace $0x8000004C;
	[dreg:$0x1] =	wrdreg $0xFFFFFFFF  }
0xad: {  	s28 =	simm.s32 $_size_execute0_lowered;
	s3 =	sadd.s32 s3, s5;
	[dreg:$0x0] =	wrdreg $0x0  }
0xae: {  	s5 =	sshll.u32 s28, $0x1;
	[dreg:$0x2] =	wrdreg s3  }
0xaf: {  	[dreg:$0x3] =	wrdreg s5  }
0xb0: {  	[dreg:$0x4] =	wrdreg $0xC0  }
0xb1: {  	_ =	task [dreg:s7], $0x5FFFF  }
0xb2: {  	[dreg:$0x1] =	wrdreg $0xFFFFFFFF  }
0xb3: {  	[dreg:$0x0] =	wrdreg $0x60  }
0xb4: {  	[dreg:$0x2] =	wrdreg s24  }
0xb5: {  	[dreg:$0x3] =	wrdreg s16  }
0xb6: {  	[dreg:$0x4] =	wrdreg $0xB3000  }
0xb7: {  	[dreg:$0x5] =	wrdreg $0x9  }
0xb8: {  	_ =	task.clear_ibuf [dreg:s7], $0x6FFFF;
	_ =	strace $0x9000004C  }
0xb9: {  	s29 =	simm.s32 $0x9;
	_ =	strace $0x8000004E  }
0xba: {  	_ =	swait.ge [sflag:s29], $0x1  }
0xbb: {  	[sflag:s29] =	ssyncadd.s32 $0xFFFFFFFF  }
0xbc: {  	_ =	strace $0x9000004E  }
0xbd: {  	_ =	sfence  }
0xbe: {  	s30 =	sld [smem:$0x0];
	_ =	sdelay $0x2  }
0xbf: {  	s31 =	sshll.u32 s1, $0xD;
	s1 =	sshrl.u32 s1, $0x2  }
0xc0: {  	s3 =	sand.u32 $0x4000, s31;
	s1 =	sadd.s32 s1, s30  }
0xc1: {  	s0 =	sor.u32 s3, s0;
	s1 =	sshll.u32 s1, $0x11  }
0xc2: {  	s0 =	sor.u32 s1, s0  }
0xc3: {  	s0 =	sadd.s32 $0x8F2B, s0  }
0xc4: {  	[sflag:s0] =	ssyncadd.remote.s32 $0x1  }
0xc5: {  	_ =	sfence.sel $0xFFFF  }
0xc6: {  	[dreg:$0x0] =	wrdreg $0xFFFFFFFF;
	(pc) =	sbr.abs _section_cstart, $3  }
0xc7: {  	[dreg:$0x1] =	wrdreg $0xFFFFFFFF  }
0xc8: {  	_ =	task.clear_ibuf [dreg:s7], $0x2FFFF;
	_ =	strace $0x9FFFFFFF  }
0xc9: {  	(tm) =	ssettm $0x7FFFFFFF  }
tec
execute0_lowered:
.L_overlay_start_1:
0x0: {  	(tag) =	ssettag $0x1  }
0x1: {  	s0 =	rddreg [dreg:$0x0]  }
0x2: {  	s2 =	rddreg [dreg:$0x1]  }
0x3: {  	s1 =	rddreg [dreg:$0x2];
	s3 =	simm.s32 $0x0;
	s4 =	srdreg.scid  }
0x4: {  	s13 =	stileid.u32;
	s14 =	simm.s32 $0x28;
	s15 =	simm.s32 $0x4F00  }
0x5: {  	s16 =	simm.s32 $0x6300;
	s18 =	simm.s32 $0x7700;
	s20 =	simm.s32 $0x8B00  }
0x6: {  	s22 =	simm.s32 $0x9F00;
	s23 =	simm.s32 $0x1;
	s28 =	simm.s32 $0x3  }
0x7: {  	s29 =	simm.s32 $0x8;
	s30 =	simm.s32 $0x4;
	s31 =	simm.s32 $0x9  }
0x8: {  	s17 =	simm.s32 $0x0;
	[smem:$0x7FF] =	sst s3;
	s5 =	sand.u32 $0x1, s4  }
0x9: {  	s6 =	smul.u32 $0x2800, s13;
	s4 =	sadd.s32 $0x2800, s0;
	s10 =	sadd.s32 $0x2A800, s0  }
0xa: {  	s12 =	smul.u32 $0x50000, s13;
	s26 =	sshll.u32 s13, $0x6;
	_ =	strace $0x8000004D  }
0xb: {  	s7 =	sshll.u32 s5, $0x4;
	s8 =	smul.u32 $0x28000, s5;
	s9 =	ssub.s32 $0x2, s5  }
0xc: {  	p0 =	seq.s32 s5, $0x1;
	s7 =	sor.u32 s13, s7;
	s11 =	sshrl.u32 s9, $0x1  }
0xd: {  	s24 =	sshrl.u32 s12, $0x2;
	s12 =	simm.s32 $0xB;
	s7 =	smul.u32 $0x2710, s7  }
0xe: {  	s8 =	sadd.s32 s6, s8;
	s9 =	ssub.s32 s9, s11;
	s25 =	sadd.s32 s24, s1  }
0xf: {  	s6 =	sadd.s32 s4, s6;
	s24 =	simm.s32 $0x6;
	s0 =	sadd.s32 s8, s0  }
0x10: {  	s9 =	smax.u32 s9, $0x1;
	s6 =	smov.u32 @p0 s10;
	s10 =	sor.u32 $0x1C0B, s26  }
0x11: {  	s11 =	sshrl.u32 s25, $0x3;
	s25 =	simm.s32 $0x2;
	s7 =	sshrl.u32 s7, $0x3  }
0x12: {  	s26 =	simm.s32 $0x7;
	s8 =	sadd.s32 $0x2D000, s0;
	s5 =	sadd.s32 s2, s7  }
0x13: {  	s0 =	simm.s32 $0x5;
	s2 =	simm.s32 $0xA;
	s7 =	sadd.s32 $0x9C40, s5  }
.LBB2_1:
0x14: {  	[spmem:s11], [sflag:s10] =	dma.local [hbm:s6], $0x2800  }
0x15: {  	_ =	swait.ge [sflag:s12], $0x2800  }
0x16: {  	[sflag:s12] =	ssyncset.done $0x0  }
0x17: {  	[sflag:s12] =	ssyncadd.s32 $0xFFFFD800  }
0x18: {  	[tilespmem:s3], [sflag:$0xB] =	stream.linear.gather [hbm4b:s5+s3], $0x2710, $0x38;
	[tilespmem:$0x1F300] =	vst v63  }
0x19: {  	_ =	swait.ge [sflag:s12], $0x2710  }
0x1a: {  	[sflag:s12] =	ssyncset.done $0x0  }
0x1b: {  	s13 =	simm.s32 $0x2780;
	[sflag:s12] =	ssyncadd.s32 $0xFFFFD8F0  }
0x1c: {  	[tilespmem:s13], [sflag:$0xB] =	stream.linear.gather [hbm4b:s7+s3], $0x2710, $0x38;
	[tilespmem:$0x1F300] =	vst v63  }
0x1d: {  	_ =	swait.ge [sflag:s12], $0x2710  }
0x1e: {  	[sflag:s12] =	ssyncset.done $0x0  }
0x1f: {  	[sflag:s12] =	ssyncadd.s32 $0xFFFFD8F0  }
0x20: {  	[tilespmem:s15], [sflag:$0x1] =	stream.indirect.gather [hbm4b:s4+s14], $0x80, s3, s14, $0xb8;
	[tilespmem:$0x1F300] =	vst v63  }
0x21: {  	_ = 	snop  }
0x22: {  	[tilespmem:s16], [sflag:$0x2] =	stream.indirect.gather [hbm4b:s4+s14], $0x80, s14, s14, $0xb8;
	[tilespmem:$0x1F300] =	vst v63  }
0x23: {  	s21 =	simm.s32 $0x50  }
0x24: {  	[tilespmem:s18], [sflag:$0x3] =	stream.indirect.gather [hbm4b:s4+s14], $0x80, s21, s14, $0xb8;
	[tilespmem:$0x1F300] =	vst v63  }
0x25: {  	s19 =	simm.s32 $0x78  }
0x26: {  	[tilespmem:s20], [sflag:$0x4] =	stream.indirect.gather [hbm4b:s4+s14], $0x80, s19, s14, $0xb8;
	[tilespmem:$0x1F300] =	vst v63  }
0x27: {  	s21 =	simm.s32 $0xA0  }
0x28: {  	[tilespmem:s22], [sflag:$0x5] =	stream.indirect.gather [hbm4b:s4+s14], $0x80, s21, s14, $0xb8;
	[tilespmem:$0x1F300] =	vst v63  }
0x29: {  	[bflag:$0x0] =	sbarrier.arrive $0xFFFF  }
0x2a: {  	_ =	swait.ge [sflag:s23], $0x1400  }
0x2b: {  	[sflag:s23] =	ssyncset.done $0x0  }
0x2c: {  	s19 =	simm.s32 $0x2780;
	[sflag:s23] =	ssyncadd.s32 $0xFFFFEC00  }
0x2d: {  	[spmem:s1] =	stream.indirect.scatter.add.f32 [tilespmem:s15], [sflag:$0x6], $0x80, s19, s14, $0xb8;
	[tilespmem:$0x1F300] =	vst v63  }
0x2e: {  	_ =	swait.ge [sflag:s24], $0x1400  }
0x2f: {  	[sflag:s24] =	ssyncset.done $0x0  }
0x30: {  	s13 =	simm.s32 $0xC8;
	[sflag:s24] =	ssyncadd.s32 $0xFFFFEC00  }
0x31: {  	[tilespmem:s15], [sflag:$0x1] =	stream.indirect.gather [hbm4b:s4+s14], $0x80, s13, s14, $0xb8;
	[tilespmem:$0x1F300] =	vst v63  }
0x32: {  	_ =	swait.ge [sflag:s25], $0x1400  }
0x33: {  	[sflag:s25] =	ssyncset.done $0x0  }
0x34: {  	s21 =	simm.s32 $0x27A8;
	[sflag:s25] =	ssyncadd.s32 $0xFFFFEC00  }
0x35: {  	[spmem:s1] =	stream.indirect.scatter.add.f32 [tilespmem:s16], [sflag:$0x7], $0x80, s21, s14, $0xb8;
	[tilespmem:$0x1F300] =	vst v63  }
0x36: {  	_ =	swait.ge [sflag:s26], $0x1400  }
0x37: {  	[sflag:s26] =	ssyncset.done $0x0  }
0x38: {  	s13 =	simm.s32 $0xF0;
	[sflag:s26] =	ssyncadd.s32 $0xFFFFEC00  }
0x39: {  	[tilespmem:s16], [sflag:$0x2] =	stream.indirect.gather [hbm4b:s4+s14], $0x80, s13, s14, $0xb8;
	[tilespmem:$0x1F300] =	vst v63  }
0x3a: {  	_ =	swait.ge [sflag:s28], $0x1400  }
0x3b: {  	[sflag:s28] =	ssyncset.done $0x0  }
0x3c: {  	s21 =	simm.s32 $0x27D0;
	[sflag:s28] =	ssyncadd.s32 $0xFFFFEC00  }
0x3d: {  	[spmem:s1] =	stream.indirect.scatter.add.f32 [tilespmem:s18], [sflag:$0x8], $0x80, s21, s14, $0xb8;
	[tilespmem:$0x1F300] =	vst v63  }
0x3e: {  	_ =	swait.ge [sflag:s29], $0x1400  }
0x3f: {  	[sflag:s29] =	ssyncset.done $0x0  }
0x40: {  	s13 =	simm.s32 $0x118;
	[sflag:s29] =	ssyncadd.s32 $0xFFFFEC00  }
0x41: {  	[tilespmem:s18], [sflag:$0x3] =	stream.indirect.gather [hbm4b:s4+s14], $0x80, s13, s14, $0xb8;
	[tilespmem:$0x1F300] =	vst v63  }
0x42: {  	_ =	swait.ge [sflag:s30], $0x1400  }
0x43: {  	[sflag:s30] =	ssyncset.done $0x0  }
0x44: {  	s21 =	simm.s32 $0x27F8;
	[sflag:s30] =	ssyncadd.s32 $0xFFFFEC00  }
0x45: {  	[spmem:s1] =	stream.indirect.scatter.add.f32 [tilespmem:s20], [sflag:$0x9], $0x80, s21, s14, $0xb8;
	[tilespmem:$0x1F300] =	vst v63  }
0x46: {  	_ =	swait.ge [sflag:s31], $0x1400  }
0x47: {  	[sflag:s31] =	ssyncset.done $0x0  }
0x48: {  	s13 =	simm.s32 $0x140;
	[sflag:s31] =	ssyncadd.s32 $0xFFFFEC00  }
0x49: {  	[tilespmem:s20], [sflag:$0x4] =	stream.indirect.gather [hbm4b:s4+s14], $0x80, s13, s14, $0xb8;
	[tilespmem:$0x1F300] =	vst v63  }
0x4a: {  	_ =	swait.ge [sflag:s0], $0x1400  }
0x4b: {  	[sflag:s0] =	ssyncset.done $0x0  }
0x4c: {  	s21 =	simm.s32 $0x2820;
	[sflag:s0] =	ssyncadd.s32 $0xFFFFEC00  }
0x4d: {  	[spmem:s1] =	stream.indirect.scatter.add.f32 [tilespmem:s22], [sflag:$0xA], $0x80, s21, s14, $0xb8;
	[tilespmem:$0x1F300] =	vst v63  }
0x4e: {  	_ =	swait.ge [sflag:s2], $0x1400  }
0x4f: {  	[sflag:s2] =	ssyncset.done $0x0  }
0x50: {  	s19 =	simm.s32 $0x320;
	s21 =	simm.s32 $0x168;
	[sflag:s2] =	ssyncadd.s32 $0xFFFFEC00  }
.LBB2_2:
0x51: {  	[tilespmem:s22], [sflag:$0x5] =	stream.indirect.gather [hbm4b:s4+s14], $0x80, s21, s14, $0xb8;
	[tilespmem:$0x1F300] =	vst v63  }
0x52: {  	s21 =	smov.u32 s19  }
0x53: {  	p0 =	sne.s32 s19, $0x9600;
	s19 =	sadd.s32 $0x320, s19;
	_ =	swait.ge [sflag:s23], $0x1400  }
0x54: {  	s21 =	sshra.s32 s21, $0x2;
	[sflag:s23] =	ssyncset.done $0x0  }
0x55: {  	s13 =	sadd.s32 $0x2780, s21;
	[sflag:s23] =	ssyncadd.s32 $0xFFFFEC00  }
0x56: {  	[spmem:s1] =	stream.indirect.scatter.add.f32 [tilespmem:s15], [sflag:$0x6], $0x80, s13, s14, $0xb8;
	[tilespmem:$0x1F300] =	vst v63  }
0x57: {  	_ =	swait.ge [sflag:s24], $0x1400  }
0x58: {  	[sflag:s24] =	ssyncset.done $0x0  }
0x59: {  	s13 =	sadd.s32 $0xC8, s21;
	[sflag:s24] =	ssyncadd.s32 $0xFFFFEC00  }
0x5a: {  	[tilespmem:s15], [sflag:$0x1] =	stream.indirect.gather [hbm4b:s4+s14], $0x80, s13, s14, $0xb8;
	[tilespmem:$0x1F300] =	vst v63  }
0x5b: {  	_ =	swait.ge [sflag:s25], $0x1400  }
0x5c: {  	[sflag:s25] =	ssyncset.done $0x0  }
0x5d: {  	s13 =	sadd.s32 $0x27A8, s21;
	[sflag:s25] =	ssyncadd.s32 $0xFFFFEC00  }
0x5e: {  	[spmem:s1] =	stream.indirect.scatter.add.f32 [tilespmem:s16], [sflag:$0x7], $0x80, s13, s14, $0xb8;
	[tilespmem:$0x1F300] =	vst v63  }
0x5f: {  	_ =	swait.ge [sflag:s26], $0x1400  }
0x60: {  	[sflag:s26] =	ssyncset.done $0x0  }
0x61: {  	s13 =	sadd.s32 $0xF0, s21;
	[sflag:s26] =	ssyncadd.s32 $0xFFFFEC00  }
0x62: {  	[tilespmem:s16], [sflag:$0x2] =	stream.indirect.gather [hbm4b:s4+s14], $0x80, s13, s14, $0xb8;
	[tilespmem:$0x1F300] =	vst v63  }
0x63: {  	_ =	swait.ge [sflag:s28], $0x1400  }
0x64: {  	[sflag:s28] =	ssyncset.done $0x0  }
0x65: {  	s13 =	sadd.s32 $0x27D0, s21;
	[sflag:s28] =	ssyncadd.s32 $0xFFFFEC00  }
0x66: {  	[spmem:s1] =	stream.indirect.scatter.add.f32 [tilespmem:s18], [sflag:$0x8], $0x80, s13, s14, $0xb8;
	[tilespmem:$0x1F300] =	vst v63  }
0x67: {  	_ =	swait.ge [sflag:s29], $0x1400  }
0x68: {  	[sflag:s29] =	ssyncset.done $0x0  }
0x69: {  	s13 =	sadd.s32 $0x118, s21;
	[sflag:s29] =	ssyncadd.s32 $0xFFFFEC00  }
0x6a: {  	[tilespmem:s18], [sflag:$0x3] =	stream.indirect.gather [hbm4b:s4+s14], $0x80, s13, s14, $0xb8;
	[tilespmem:$0x1F300] =	vst v63  }
0x6b: {  	_ =	swait.ge [sflag:s30], $0x1400  }
0x6c: {  	[sflag:s30] =	ssyncset.done $0x0  }
0x6d: {  	s13 =	sadd.s32 $0x27F8, s21;
	[sflag:s30] =	ssyncadd.s32 $0xFFFFEC00  }
0x6e: {  	[spmem:s1] =	stream.indirect.scatter.add.f32 [tilespmem:s20], [sflag:$0x9], $0x80, s13, s14, $0xb8;
	[tilespmem:$0x1F300] =	vst v63  }
0x6f: {  	_ =	swait.ge [sflag:s31], $0x1400  }
0x70: {  	[sflag:s31] =	ssyncset.done $0x0  }
0x71: {  	s13 =	sadd.s32 $0x140, s21;
	[sflag:s31] =	ssyncadd.s32 $0xFFFFEC00  }
0x72: {  	[tilespmem:s20], [sflag:$0x4] =	stream.indirect.gather [hbm4b:s4+s14], $0x80, s13, s14, $0xb8;
	[tilespmem:$0x1F300] =	vst v63  }
0x73: {  	_ =	swait.ge [sflag:s0], $0x1400  }
0x74: {  	[sflag:s0] =	ssyncset.done $0x0  }
.Ltmp0:
0x75: {  	s13 =	sadd.s32 $0x2820, s21;
	[sflag:s0] =	ssyncadd.s32 $0xFFFFEC00;
	(pc) =	sbr.rel @p0 .LBB2_2-.Ltmp0, $4  }
0x76: {  	[spmem:s1] =	stream.indirect.scatter.add.f32 [tilespmem:s22], [sflag:$0xA], $0x80, s13, s14, $0xb8;
	[tilespmem:$0x1F300] =	vst v63  }
0x77: {  	_ =	swait.ge [sflag:s2], $0x1400  }
0x78: {  	[sflag:s2] =	ssyncset.done $0x0  }
0x79: {  	s21 =	sadd.s32 $0x168, s21;
	[sflag:s2] =	ssyncadd.s32 $0xFFFFEC00  }
0x7a: {  	[tilespmem:s22], [sflag:$0x5] =	stream.indirect.gather [hbm4b:s4+s14], $0x80, s21, s14, $0xb8;
	[tilespmem:$0x1F300] =	vst v63  }
0x7b: {  	_ =	swait.ge [sflag:s23], $0x1400  }
0x7c: {  	[sflag:s23] =	ssyncset.done $0x0  }
0x7d: {  	s13 =	simm.s32 $0x4DC8;
	[sflag:s23] =	ssyncadd.s32 $0xFFFFEC00  }
0x7e: {  	[spmem:s1] =	stream.indirect.scatter.add.f32 [tilespmem:s15], [sflag:$0x6], $0x80, s13, s14, $0xb8;
	[tilespmem:$0x1F300] =	vst v63  }
0x7f: {  	_ =	swait.ge [sflag:s24], $0x1400  }
0x80: {  	[sflag:s24] =	ssyncset.done $0x0  }
0x81: {  	[sflag:s24] =	ssyncadd.s32 $0xFFFFEC00  }
0x82: {  	_ =	swait.ge [sflag:s25], $0x1400  }
0x83: {  	[sflag:s25] =	ssyncset.done $0x0  }
0x84: {  	s19 =	simm.s32 $0x4DF0;
	[sflag:s25] =	ssyncadd.s32 $0xFFFFEC00  }
0x85: {  	[spmem:s1] =	stream.indirect.scatter.add.f32 [tilespmem:s16], [sflag:$0x7], $0x80, s19, s14, $0xb8;
	[tilespmem:$0x1F300] =	vst v63  }
0x86: {  	_ =	swait.ge [sflag:s26], $0x1400  }
0x87: {  	[sflag:s26] =	ssyncset.done $0x0  }
0x88: {  	[sflag:s26] =	ssyncadd.s32 $0xFFFFEC00  }
0x89: {  	_ =	swait.ge [sflag:s28], $0x1400  }
0x8a: {  	[sflag:s28] =	ssyncset.done $0x0  }
0x8b: {  	s21 =	simm.s32 $0x4E18;
	[sflag:s28] =	ssyncadd.s32 $0xFFFFEC00  }
0x8c: {  	[spmem:s1] =	stream.indirect.scatter.add.f32 [tilespmem:s18], [sflag:$0x8], $0x80, s21, s14, $0xb8;
	[tilespmem:$0x1F300] =	vst v63  }
0x8d: {  	_ =	swait.ge [sflag:s29], $0x1400  }
0x8e: {  	[sflag:s29] =	ssyncset.done $0x0  }
0x8f: {  	[sflag:s29] =	ssyncadd.s32 $0xFFFFEC00  }
0x90: {  	_ =	swait.ge [sflag:s30], $0x1400  }
0x91: {  	[sflag:s30] =	ssyncset.done $0x0  }
0x92: {  	s19 =	simm.s32 $0x4E40;
	[sflag:s30] =	ssyncadd.s32 $0xFFFFEC00  }
0x93: {  	[spmem:s1] =	stream.indirect.scatter.add.f32 [tilespmem:s20], [sflag:$0x9], $0x80, s19, s14, $0xb8;
	[tilespmem:$0x1F300] =	vst v63  }
0x94: {  	_ =	swait.ge [sflag:s31], $0x1400  }
0x95: {  	[sflag:s31] =	ssyncset.done $0x0  }
0x96: {  	[sflag:s31] =	ssyncadd.s32 $0xFFFFEC00  }
0x97: {  	_ =	swait.ge [sflag:s0], $0x1400  }
0x98: {  	[sflag:s0] =	ssyncset.done $0x0  }
0x99: {  	s21 =	simm.s32 $0x4E68;
	[sflag:s0] =	ssyncadd.s32 $0xFFFFEC00  }
0x9a: {  	[spmem:s1] =	stream.indirect.scatter.add.f32 [tilespmem:s22], [sflag:$0xA], $0x80, s21, s14, $0xb8;
	[tilespmem:$0x1F300] =	vst v63  }
0x9b: {  	_ =	swait.ge [sflag:s2], $0x1400  }
0x9c: {  	s17 =	sadd.s32 $0x1, s17;
	[sflag:s2] =	ssyncset.done $0x0  }
0x9d: {  	p0 =	sne.s32 s17, s9;
	[sflag:s2] =	ssyncadd.s32 $0xFFFFEC00  }
.Ltmp1:
0x9e: {  	[bflag:$0x0] =	sbarrier.arrive $0xFFFF;
	(pc) =	sbr.rel @p0 .LBB2_1-.Ltmp1, $4  }
0x9f: {  	[hbm:s8], [sflag:s10] =	dma.local [spmem:s11], $0x2800  }
0xa0: {  	_ =	swait.ge [sflag:s12], $0x2800  }
0xa1: {  	[sflag:s12] =	ssyncset.done $0x0  }
0xa2: {  	[sflag:s12] =	ssyncadd.s32 $0xFFFFD800  }
0xa3: {  	_ =	sfence.sel $0x180000  }
0xa4: {  	[bflag:$0x0] =	sbarrier.arrive $0xFFFF  }
0xa5: {  	_ =	strace $0x9000004D  }
0xa6: {  	s0 =	stileid.u32;
	[bflag:$0x2] =	sbarrier.arrive $0xFFFF  }
0xa7: {  	p0 =	sne.s32 s0, $0x0;
	s0 =	rddreg [dreg:$0x3]  }
0xa8: {  	s0 =	sadd.s32 @!p0 $0x100000, s0  }
0xa9: {  	[sflag:s0] =	ssyncadd.tile.s32 @!p0 $0x1;
	_ =	shalt  }
.Lfunc_end2:
_tile_overlayer_lowered:
.L_overlay_start_2:
0xaa: {  	(tag) =	ssettag $0x2  }
0xab: {  	s0 =	rddreg [dreg:$0x0];
	s2 =	stileid.u32  }
0xac: {  	s1 =	rddreg [dreg:$0x1];
	p0 =	sne.s32 s2, $0x0  }
0xad: {  	s3 =	rddreg [dreg:$0x2];
	[bflag:$0x3] =	sbarrier.arrive $0xFFFF;
	s2 =	simm.s32 @!p0 $0x1C0B  }
0xae: {  	[timem:s3], [sflag:s2] =	dma.local @!p0 [hbm:s0], s1  }
0xaf: {  	s0 =	simm.s32 @!p0 $0xB  }
0xb0: {  	_ =	swait.ge @!p0 [sflag:s0], s1  }
0xb1: {  	s1 =	ssub.s32 @!p0 $0x0, s1;
	[sflag:s0] =	ssyncset.done @!p0 $0x0  }
0xb2: {  	[sflag:s0] =	ssyncadd.s32 @!p0 s1  }
0xb3: {  	[bflag:$0x3] =	sbarrier.arrive $0xFFFF  }
0xb4: {  	_ =	shalt  }

// kernel: kernel.9.cloned.1.call-start
scs
__scs_entry_jumppad:
0x0: {  	(pc) =	sbr.rel $0x88, $3  }
0x1: {  	(tag) =	ssettag $0x0;
	lr =	simm.s32 $0x1  }
0x2: {  	[smem:$0x3F9B] =	sst lr;
	_ =	strace $0xD0000000  }
0x3: {  	_ = 	snop  }
0x4: {  	_ = 	snop  }
0x5: {  	_ = 	snop  }
0x6: {  	_ = 	snop  }
0x7: {  	_ = 	snop  }
__scs_overlays_trampoline_lowered:
0x8: {  	[smem:$0x3FAA] =	sst s0  }
0x9: {  	[smem:$0x3FAB] =	sst s1  }
0xa: {  	[smem:$0x3FAC] =	sst s2  }
0xb: {  	[smem:$0x3FAD] =	sst s3  }
0xc: {  	[smem:$0x3FAE] =	sst s4  }
0xd: {  	[smem:$0x3FAF] =	sst s5  }
0xe: {  	[smem:$0x3FB0] =	sst s6  }
0xf: {  	[smem:$0x3FB1] =	sst s7  }
0x10: {  	[smem:$0x3FB2] =	sst s8  }
0x11: {  	[smem:$0x3FB3] =	sst s9;
	s0 =	simm.s32 @!p0 $0x0  }
0x12: {  	s1 =	sld [smem:$0x3F99];
	s0 =	simm.s32 @p0 $0x1  }
0x13: {  	[smem:$0x3FB4] =	sst s0;
	s0 =	simm.s32 @!p1 $0x0  }
0x14: {  	s2 =	sld [smem:$0x3F98];
	s0 =	simm.s32 @p1 $0x1  }
0x15: {  	[smem:$0x3FB5] =	sst s0;
	s0 =	simm.s32 @!p2 $0x0  }
0x16: {  	s3 =	sld [smem:$0x3FDB];
	s0 =	simm.s32 @p2 $0x1  }
0x17: {  	s4 =	simm.s32 $0x1BF5;
	[smem:$0x3FB7] =	sst s0  }
0x18: {  	s0 =	sld [smem:$0x3F9A];
	_ =	swait.ge [sflag:s4], $0x0  }
0x19: {  	s7 =	sld [smem:$0x3F9B]  }
0x1a: {  	s8 =	sadd.s32 $0xFFFFE003, lr  }
0x1b: {  	s9 =	sadd.s32 $0xFFFFFEF7, lr;
	s5 =	simm.s32 $0xFFFFFFFF;
	p2 =	slt.u32 s8, $0xFFFFF086  }
0x1c: {  	p1 =	slt.u32 s9, $0xF7A;
	s5 =	simm.s32 @!p2 $0x0  }
0x1d: {  	s5 =	simm.s32 @p1 $0x1;
	p0 =	seq.s32 s7, s2  }
0x1e: {  	s7 =	smul.u32 @!p0 $0xF7A, s2;
	p2 =	seq.s32 @!p0 s5, $0x0  }
0x1f: {  	s9 =	smul.u32 $0xF7A, s1;
	s8 =	simm.s32 @!p0 $0x1BF5;
	p2 =	por !p2, p0  }
0x20: {  	[sflag:s8] =	ssyncset.s32 @!p0 $0xFFFFF086;
	s6 =	sadd.s32 @!p0 s3, s7;
	s7 =	simm.s32 @!p0 $0x108  }
0x21: {  	s3 =	sadd.s32 s3, s9;
	s6 =	sadd.s32 @!p0 $0x88, s6;
	s7 =	simm.s32 @p2 $0x1082  }
0x22: {  	[simem:s7], [sflag:s8] =	dma.local @!p0 [hbm:s6], $0xF7A  }
0x23: {  	s9 =	sor.u32 $0xD0000000, s2;
	s6 =	simm.s32 $0x108;
	_ =	swait.ge @!p0 [sflag:s8], $0x0  }
0x24: {  	s3 =	sadd.s32 $0x88, s3;
	s6 =	simm.s32 @!p1 $0x1082;
	[sflag:s4] =	ssyncset.s32 $0xFFFFF086  }
0x25: {  	[simem:s6], [sflag:s4] =	dma.local [hbm:s3], $0xF7A  }
0x26: {  	[smem:$0x3F9B] =	sst s1;
	(tag) =	ssettag s2;
	_ =	strace s9  }
0x27: {  	s1 =	sld [smem:$0x3FAB]  }
0x28: {  	s2 =	sld [smem:$0x3FAC]  }
0x29: {  	s4 =	sld [smem:$0x3FAE]  }
0x2a: {  	p0 =	seq.s32 s5, $0x0;
	s5 =	sld [smem:$0x3FAF]  }
0x2b: {  	s6 =	sld [smem:$0x3FB0]  }
0x2c: {  	s7 =	sld [smem:$0x3FB1]  }
0x2d: {  	s3 =	simm.s32 $0x108;
	s8 =	sld [smem:$0x3FB2]  }
0x2e: {  	s3 =	simm.s32 @!p0 $0x1082;
	s9 =	sld [smem:$0x3FB3]  }
0x2f: {  	lr =	sadd.s32 s0, s3;
	s0 =	sld [smem:$0x3FAA]  }
0x30: {  	s3 =	sld [smem:$0x3FAD]  }
0x31: {  	[smem:$0x3FB6] =	sst s10  }
0x32: {  	s10 =	sld [smem:$0x3FB4];
	_ =	sdelay $0x3  }
0x33: {  	p0 =	seq.s32 s10, $0x1;
	s10 =	sld [smem:$0x3FB6];
	_ =	sdelay $0x3  }
0x34: {  	[smem:$0x3FB6] =	sst s10  }
0x35: {  	s10 =	sld [smem:$0x3FB5];
	_ =	sdelay $0x3  }
0x36: {  	p1 =	seq.s32 s10, $0x1;
	s10 =	sld [smem:$0x3FB6];
	_ =	sdelay $0x3  }
0x37: {  	[smem:$0x3FB6] =	sst s10  }
0x38: {  	s10 =	sld [smem:$0x3FB7]  }
0x39: {  	_ = 	snop;
	(pc) =	sbr.ind lr, $3  }
0x3a: {  	_ = 	snop  }
0x3b: {  	_ = 	snop  }
0x3c: {  	p2 =	seq.s32 s10, $0x1;
	s10 =	sld [smem:$0x3FB6]  }
0x3d: {  	_ =	shalt  }
0x3e: {  	_ =	shalt  }
0x3f: {  	_ =	shalt  }
0x40: {  	_ =	shalt  }
0x41: {  	_ =	shalt  }
0x42: {  	_ =	shalt  }
0x43: {  	_ =	shalt  }
0x44: {  	_ =	shalt  }
0x45: {  	_ =	shalt  }
0x46: {  	_ =	shalt  }
0x47: {  	_ =	shalt  }
0x48: {  	_ =	shalt  }
0x49: {  	_ =	shalt  }
0x4a: {  	_ =	shalt  }
0x4b: {  	_ =	shalt  }
0x4c: {  	_ =	shalt  }
0x4d: {  	_ =	shalt  }
0x4e: {  	_ =	shalt  }
0x4f: {  	_ =	shalt  }
0x50: {  	_ =	shalt  }
0x51: {  	_ =	shalt  }
0x52: {  	_ =	shalt  }
0x53: {  	_ =	shalt  }
0x54: {  	_ =	shalt  }
0x55: {  	_ =	shalt  }
0x56: {  	_ =	shalt  }
0x57: {  	_ =	shalt  }
0x58: {  	_ =	shalt  }
0x59: {  	_ =	shalt  }
0x5a: {  	_ =	shalt  }
0x5b: {  	_ =	shalt  }
0x5c: {  	_ =	shalt  }
0x5d: {  	_ =	shalt  }
0x5e: {  	_ =	shalt  }
0x5f: {  	_ =	shalt  }
0x60: {  	_ =	shalt  }
0x61: {  	_ =	shalt  }
0x62: {  	_ =	shalt  }
0x63: {  	_ =	shalt  }
0x64: {  	_ =	shalt  }
0x65: {  	_ =	shalt  }
0x66: {  	_ =	shalt  }
0x67: {  	_ =	shalt  }
0x68: {  	_ =	shalt  }
0x69: {  	_ =	shalt  }
0x6a: {  	_ =	shalt  }
0x6b: {  	_ =	shalt  }
0x6c: {  	_ =	shalt  }
0x6d: {  	_ =	shalt  }
0x6e: {  	_ =	shalt  }
0x6f: {  	_ =	shalt  }
0x70: {  	_ =	shalt  }
0x71: {  	_ =	shalt  }
0x72: {  	_ =	shalt  }
0x73: {  	_ =	shalt  }
0x74: {  	_ =	shalt  }
0x75: {  	_ =	shalt  }
0x76: {  	_ =	shalt  }
0x77: {  	_ =	shalt  }
0x78: {  	_ =	shalt  }
0x79: {  	_ =	shalt  }
0x7a: {  	_ =	shalt  }
0x7b: {  	_ =	shalt  }
0x7c: {  	_ =	shalt  }
0x7d: {  	_ =	shalt  }
0x7e: {  	_ =	shalt  }
0x7f: {  	_ =	shalt  }
0x80: {  	_ =	shalt  }
0x81: {  	_ =	shalt  }
0x82: {  	_ =	shalt  }
0x83: {  	_ =	shalt  }
0x84: {  	_ =	shalt  }
0x85: {  	_ =	shalt  }
0x86: {  	_ =	shalt  }
0x87: {  	_ =	shalt  }
.Lfunc_end0:
.L_simem_size_0:
called_computation_lowered:
.L_overlay_start_0:
0x88: {  	s2 =	sld [smem:$0x3FD9]  }
0x89: {  	s3 =	sld [smem:$0x3FFE];
	_ =	sdelay $0x1  }
0x8a: {  	s1 =	srdreg.scid  }
0x8b: {  	s0 =	sand.u32 $0x1, s1  }
0x8c: {  	s14 =	sshll.u32 s0, $0xA;
	s2 =	sadd.s32 s3, s2  }
0x8d: {  	s2 =	sadd.s32 s2, s14  }
0x8e: {  	[smem:$0x3FC2] =	sst s2  }
0x8f: {  	_ = 	snop  }
0x90: {  	s2 =	sld [smem:$0x3FD0];
	_ =	sdelay $0x2  }
0x91: {  	s15 =	simm.s32 $0xA;
	s4 =	simm.s32 $0x10  }
0x92: {  	[smem:s4], [sflag:s15] =	dma.local [hbm:s2], $0x1  }
0x93: {  	_ =	swait.eq [sflag:s15], $0x1  }
0x94: {  	[sflag:s15] =	ssyncset.done $0x0  }
0x95: {  	s16 =	sld [smem:$0x10];
	[sflag:s15] =	ssyncadd.s32 $0xFFFFFFFF  }
0x96: {  	s17 =	sld [smem:$0x11];
	(tm) =	ssettm $0x1  }
0x97: {  	s18 =	sld [smem:$0x3FFB];
	_ =	sdelay $0x3  }
0x98: {  	_ =	strace s18  }
0x99: {  	s4 =	sld [smem:$0x3FFC];
	_ =	sdelay $0x3  }
0x9a: {  	_ =	strace s4  }
0x9b: {  	s4 =	sld [smem:$0x3FFD];
	_ =	sdelay $0x3  }
0x9c: {  	_ =	strace s4  }
0x9d: {  	_ =	strace $0x8FFFFFFF  }
0x9e: {  	s19 =	sld [smem:$0x3FDB];
	_ =	sdelay $0x1  }
0x9f: {  	s5 =	simm.s32 $_scs_section_size  }
0xa0: {  	s6 =	simm.s32 $_size__tile_overlayer_lowered;
	s7 =	simm.s32 $_tile_overlayer_lowered  }
0xa1: {  	s22 =	simm.s32 $0x1BFF;
	s21 =	sshll.u32 s7, $0x1;
	s4 =	sadd.s32 s5, s19  }
0xa2: {  	s8 =	simm.s32 $0x0;
	s20 =	sshll.u32 s6, $0x1;
	s6 =	sadd.s32 s21, s4  }
0xa3: {  	[timem:s8], [sflag:s22] =	dma.local [hbm:s6], s20  }
0xa4: {  	_ =	swait.ge [sflag:s22], s20  }
0xa5: {  	s5 =	ssub.s32 $0x0, s20;
	[sflag:s22] =	ssyncset.done $0x0  }
0xa6: {  	[sflag:s22] =	ssyncadd.s32 s5;
	_ =	sdelay $0x1  }
0xa7: {  	s23 =	simm.s32 $0x1B8B  }
0xa8: {  	_ =	swait.ge [sflag:s23], $0x1  }
0xa9: {  	[sflag:s23] =	ssyncset.done $0x0  }
0xaa: {  	s25 =	simm.s32 $0x1B8E;
	s24 =	sld [smem:$0x3FFE];
	[sflag:s23] =	ssyncadd.s32 $0xFFFFFFFF  }
0xab: {  	s26 =	simm.s32 $execute0_lowered;
	[smem:$0x3FD2] =	sst s25  }
0xac: {  	s6 =	sshll.u32 s26, $0x1;
	_ =	strace $0x80000046;
	[dreg:$0x1] =	wrdreg $0xFFFFFFFF  }
0xad: {  	s28 =	simm.s32 $_size_execute0_lowered;
	s4 =	sadd.s32 s4, s6;
	[dreg:$0x0] =	wrdreg $0x0  }
0xae: {  	s6 =	sshll.u32 s28, $0x1;
	[dreg:$0x2] =	wrdreg s4  }
0xaf: {  	[dreg:$0x3] =	wrdreg s6  }
0xb0: {  	[dreg:$0x4] =	wrdreg $0xC0  }
0xb1: {  	_ =	task [dreg:s8], $0x5FFFF  }
0xb2: {  	[dreg:$0x1] =	wrdreg $0xFFFFFFFF  }
0xb3: {  	[dreg:$0x0] =	wrdreg $0x60  }
0xb4: {  	[dreg:$0x2] =	wrdreg s16  }
0xb5: {  	[dreg:$0x3] =	wrdreg s24  }
0xb6: {  	[dreg:$0x4] =	wrdreg s17  }
0xb7: {  	[dreg:$0x5] =	wrdreg $0x9  }
0xb8: {  	_ =	task.clear_ibuf [dreg:s8], $0x6FFFF;
	_ =	strace $0x90000046  }
0xb9: {  	s29 =	simm.s32 $0x9;
	_ =	strace $0x80000048  }
0xba: {  	_ =	swait.ge [sflag:s29], $0x1  }
0xbb: {  	[sflag:s29] =	ssyncadd.s32 $0xFFFFFFFF  }
0xbc: {  	_ =	strace $0x90000048  }
0xbd: {  	_ =	sfence  }
0xbe: {  	s30 =	sld [smem:$0x0];
	_ =	sdelay $0x2  }
0xbf: {  	s31 =	sshll.u32 s1, $0xD;
	s1 =	sshrl.u32 s1, $0x2  }
0xc0: {  	s3 =	sand.u32 $0x4000, s31;
	s1 =	sadd.s32 s1, s30  }
0xc1: {  	s0 =	sor.u32 s3, s0;
	s1 =	sshll.u32 s1, $0x11  }
0xc2: {  	s0 =	sor.u32 s1, s0  }
0xc3: {  	s0 =	sadd.s32 $0x8F2B, s0  }
0xc4: {  	[sflag:s0] =	ssyncadd.remote.s32 $0x1  }
0xc5: {  	_ =	sfence.sel $0xFFFF  }
0xc6: {  	[dreg:$0x0] =	wrdreg $0xFFFFFFFF;
	(pc) =	sbr.abs _section_cstart, $3  }
0xc7: {  	[dreg:$0x1] =	wrdreg $0xFFFFFFFF  }
0xc8: {  	_ =	task.clear_ibuf [dreg:s8], $0x2FFFF;
	_ =	strace $0x9FFFFFFF  }
0xc9: {  	(tm) =	ssettm $0x7FFFFFFF  }
tec
execute0_lowered:
.L_overlay_start_1:
0x0: {  	(tag) =	ssettag $0x1  }
0x1: {  	s0 =	srdreg.scid  }
0x2: {  	s4 =	rddreg [dreg:$0x0];
	s5 =	sand.u32 $0x1, s0  }
0x3: {  	s3 =	rddreg [dreg:$0x1];
	s1 =	stileid.u32;
	s7 =	sshll.u32 s5, $0x4  }
0x4: {  	s6 =	rddreg [dreg:$0x2];
	s7 =	sor.u32 s1, s7  }
0x5: {  	s2 =	simm.s32 $0x0;
	s0 =	rddreg [dreg:$0x3];
	s8 =	smul.u32 $0x2710, s7  }
0x6: {  	[smem:$0x7FF] =	sst s2;
	s5 =	ssub.s32 $0x2, s5;
	s7 =	smul.u32 $0x500, s7  }
0x7: {  	s3 =	sadd.s32 $0x2800, s3;
	_ =	strace $0x80000047;
	s9 =	sshrl.u32 s5, $0x1  }
0x8: {  	s9 =	ssub.s32 s5, s9;
	s8 =	sshrl.u32 s8, $0x3;
	s5 =	sadd.s32 s6, s7  }
0x9: {  	s6 =	smax.u32 s9, $0x1;
	s7 =	simm.s32 $0x2780;
	s4 =	sadd.s32 s4, s8  }
0xa: {  	s9 =	simm.s32 $0x0;
	s8 =	simm.s32 $0x1;
	s4 =	sadd.s32 $0x9C40, s4  }
.LBB2_1:
0xb: {  	[tilespmem:s7], [sflag:$0x1] =	stream.linear.gather [hbm4b:s3+s2], $0x2800, $0x38;
	[tilespmem:$0x4F80] =	vst v63  }
0xc: {  	_ =	swait.ge [sflag:s8], $0x2800  }
0xd: {  	[sflag:s8] =	ssyncset.done $0x0  }
0xe: {  	[sflag:s8] =	ssyncadd.s32 $0xFFFFD800  }
0xf: {  	[tilespmem:s2], [sflag:$0x1] =	stream.linear.gather [hbm4b:s4+s2], $0x2710, $0x38;
	[tilespmem:$0x4F80] =	vst v63  }
0x10: {  	_ =	swait.ge [sflag:s8], $0x2710  }
0x11: {  	[sflag:s8] =	ssyncset.done $0x0  }
0x12: {  	s10 =	simm.s32 $0x0;
	[sflag:s8] =	ssyncadd.s32 $0xFFFFD8F0  }
.LBB2_2:
0x13: {  	s11 =	sshra.s32 s10, $0x2  }
0x14: {  	v0 =	vld [tilespmem:s11+$0x0];
	_ =	sdelay $0x4  }
0x15: {  	(xrf1) =	vunique.msk.u32 $0xffff, v0;
	_ =	sdelay $0xd  }
0x16: {  	_, v1, vm0 =	vpop (xrf1);
	_ =	sdelay $0x3  }
0x17: {  	v1 =	vcvt.s32.f32 v1;
	_ =	sdelay $0x1  }
0x18: {  	[tilespmem:v0+s7+$0x0] =	vst.idx.add.f32.msk vm0, v1  }
0x19: {  	v0 =	vld [tilespmem:s11+$0x10];
	_ =	sdelay $0x4  }
0x1a: {  	(xrf1) =	vunique.msk.u32 $0xffff, v0;
	_ =	sdelay $0xd  }
0x1b: {  	_, v1, vm0 =	vpop (xrf1);
	_ =	sdelay $0x3  }
0x1c: {  	v1 =	vcvt.s32.f32 v1;
	_ =	sdelay $0x1  }
0x1d: {  	[tilespmem:v0+s7+$0x0] =	vst.idx.add.f32.msk vm0, v1  }
0x1e: {  	v0 =	vld [tilespmem:s11+$0x20];
	_ =	sdelay $0x4  }
0x1f: {  	(xrf1) =	vunique.msk.u32 $0xffff, v0;
	_ =	sdelay $0xd  }
0x20: {  	_, v1, vm0 =	vpop (xrf1);
	_ =	sdelay $0x3  }
0x21: {  	v1 =	vcvt.s32.f32 v1;
	_ =	sdelay $0x1  }
0x22: {  	[tilespmem:v0+s7+$0x0] =	vst.idx.add.f32.msk vm0, v1  }
0x23: {  	v0 =	vld [tilespmem:s11+$0x30];
	_ =	sdelay $0x4  }
0x24: {  	(xrf1) =	vunique.msk.u32 $0xffff, v0;
	_ =	sdelay $0xd  }
0x25: {  	_, v1, vm0 =	vpop (xrf1);
	_ =	sdelay $0x3  }
0x26: {  	v1 =	vcvt.s32.f32 v1;
	_ =	sdelay $0x1  }
0x27: {  	[tilespmem:v0+s7+$0x0] =	vst.idx.add.f32.msk vm0, v1  }
0x28: {  	v0 =	vld [tilespmem:s11+$0x40];
	_ =	sdelay $0x4  }
0x29: {  	(xrf1) =	vunique.msk.u32 $0xffff, v0;
	_ =	sdelay $0xd  }
0x2a: {  	_, v1, vm0 =	vpop (xrf1)  }
0x2b: {  	p0 =	sne.s32 s10, $0x9B00  }
.Ltmp0:
0x2c: {  	_ = 	snop;
	(pc) =	sbr.rel @p0 .LBB2_2-.Ltmp0, $3  }
0x2d: {  	_ = 	snop  }
0x2e: {  	v1 =	vcvt.s32.f32 v1;
	_ =	sdelay $0x1  }
0x2f: {  	s10 =	sadd.s32 $0x140, s10;
	[tilespmem:v0+s7+$0x0] =	vst.idx.add.f32.msk vm0, v1  }
0x30: {  	s9 =	sadd.s32 $0x1, s9  }
0x31: {  	p0 =	sne.s32 s9, s6  }
.Ltmp1:
0x32: {  	_ = 	snop;
	(pc) =	sbr.rel @p0 .LBB2_1-.Ltmp1, $4  }
0x33: {  	[hbm4b:s5+s2] =	stream.linear.scatter [tilespmem:s7], [sflag:$0x1], $0x2800, $0x38;
	[tilespmem:$0x4F80] =	vst v63  }
0x34: {  	_ =	swait.ge [sflag:s8], $0x2800  }
0x35: {  	[sflag:s8] =	ssyncset.done $0x0  }
0x36: {  	[sflag:s8] =	ssyncadd.s32 $0xFFFFD800  }
0x37: {  	_ =	sfence.sel $0x180000  }
0x38: {  	[bflag:$0x0] =	sbarrier.arrive $0xFFFF  }
0x39: {  	p0 =	sne.s32 s1, $0x0;
	_ =	strace $0x90000047  }
0x3a: {  	s0 =	sadd.s32 @!p0 $0x100000, s0;
	[bflag:$0x2] =	sbarrier.arrive $0xFFFF  }
0x3b: {  	[sflag:s0] =	ssyncadd.tile.s32 @!p0 $0x1;
	_ =	shalt  }
.Lfunc_end2:
_tile_overlayer_lowered:
.L_overlay_start_2:
0x3c: {  	(tag) =	ssettag $0x2  }
0x3d: {  	s0 =	rddreg [dreg:$0x0];
	s2 =	stileid.u32  }
0x3e: {  	s1 =	rddreg [dreg:$0x1];
	p0 =	sne.s32 s2, $0x0  }
0x3f: {  	s3 =	rddreg [dreg:$0x2];
	[bflag:$0x3] =	sbarrier.arrive $0xFFFF;
	s2 =	simm.s32 @!p0 $0x1C01  }
0x40: {  	[timem:s3], [sflag:s2] =	dma.local @!p0 [hbm:s0], s1  }
0x41: {  	s0 =	simm.s32 @!p0 $0x1  }
0x42: {  	_ =	swait.ge @!p0 [sflag:s0], s1  }
0x43: {  	s1 =	ssub.s32 @!p0 $0x0, s1;
	[sflag:s0] =	ssyncset.done @!p0 $0x0  }
0x44: {  	[sflag:s0] =	ssyncadd.s32 @!p0 s1  }
0x45: {  	[bflag:$0x3] =	sbarrier.arrive $0xFFFF  }
0x46: {  	_ =	shalt  }

</sc_bundles>
